<compile_context>
chip_gen: v7x
topology: tpu7x:2x2x1
jax: 0.10.2.dev20260603
libtpu: 0.0.44.dev20260713+nightly
codegen_flags: <defaults>
</compile_context>

<pallas_src>
import functools

import jax
import jax.numpy as jnp
from jax import lax
from jax.experimental import pallas as pl
from jax.experimental.pallas import tpu as pltpu
from jax.experimental.pallas import tpu_sc as plsc

N, F, D = 524288, 26, 4
NF = N * F
NW = 32
PER_W = NF // NW
CHUNK = 2048
STEPS = PER_W // CHUNK


def _make_sc_kernel():
    mesh = plsc.VectorSubcoreMesh(core_axis_name="c", subcore_axis_name="s")

    @functools.partial(
        pl.kernel, mesh=mesh,
        out_type=jax.ShapeDtypeStruct((NF * D,), jnp.float32),
        scratch_types=[
            pltpu.VMEM((CHUNK,), jnp.float32),
            pltpu.VMEM((CHUNK,), jnp.int32),
            pltpu.VMEM((D * CHUNK,), jnp.float32),
            pltpu.VMEM((16,), jnp.int32),
            pltpu.VMEM((16,), jnp.int32),
        ],
    )
    def _sc_lvr(x_hbm, i_hbm, kv_hbm, gv_hbm, o_hbm, xv, iv, ov, kvv, gvv):
        wid = lax.axis_index("s") * 2 + lax.axis_index("c")
        base = wid * PER_W
        pltpu.sync_copy(kv_hbm, kvv)
        pltpu.sync_copy(gv_hbm, gvv)

        def step(t, carry):
            off = base + t * CHUNK
            pltpu.sync_copy(x_hbm.at[pl.ds(off, CHUNK)], xv)
            pltpu.sync_copy(i_hbm.at[pl.ds(off, CHUNK)], iv)
            kvec = kvv[pl.ds(0, 16)]
            group = gvv[pl.ds(0, 16)]

            def inner(j, c2):
                xe = xv[pl.ds(j * 16, 16)]
                ie = iv[pl.ds(j * 16, 16)]
                for m in range(4):
                    enc = jnp.zeros((16,), jnp.float32)
                    for g in range(4):
                        xs = xe[m * 4 + g]
                        isc = ie[m * 4 + g]
                        e_g = jnp.where(kvec < isc, 1.0,
                                        jnp.where(kvec > isc, 0.0, xs))
                        enc = jnp.where(group == g, e_g, enc)
                    ov[pl.ds(j * 64 + m * 16, 16)] = enc
                return c2

            lax.fori_loop(0, CHUNK // 16, inner, 0)
            pltpu.sync_copy(ov, o_hbm.at[pl.ds(off * D, CHUNK * D)])
            return carry

        lax.fori_loop(0, STEPS, step, 0)

    return _sc_lvr


_SC_LVR = _make_sc_kernel()


def kernel(x, indices):
    kvec = jnp.arange(16, dtype=jnp.int32) % D
    group = jnp.arange(16, dtype=jnp.int32) // D
    out = _SC_LVR(x.reshape(NF), indices.reshape(NF), kvec, group)
    return out.reshape(N, F, D)

# --- scband reference (transcript-rebuilt; emitter-appended) ---
"""Pipeline reference for scband-piecewise-linear-encoder-15616501088796 (READ-ONLY COPY).

The authoritative reference and input builder live on the scoring server;
editing this copy changes nothing except your own understanding.
"""

import jax, jax.numpy as jnp
import numpy as np

N, F, D_ENC = 524288, 26, 4


def setup_inputs(seed: int = 0) -> dict:
    key = jax.random.key(seed)
    k1, k2 = jax.random.split(key)
    # x plays the role of pre-computed bin linear ratios (values) in [0, 1)
    x = jax.random.uniform(k1, (N, F), dtype=jnp.float32)
    # bin indices for each (row, feature), in [0, d_encoding)
    indices = jax.random.randint(k2, (N, F), 0, D_ENC, dtype=jnp.int32)
    return {"x": x, "indices": indices}


def _lvr_encoding(values, indices, d_encoding, left, right):
    # Faithful port of _LVR_encoding ("Left-Value-Right") from
    # yandex-research/tabular-dl-num-embeddings bin.py:
    #   positions < index -> left (1.0); positions > index -> right (0.0);
    #   position == index -> the value (scatter along last dim).
    ar = jnp.arange(d_encoding, dtype=indices.dtype)[None, None, :]
    idx = indices[:, :, None]
    encoding = jnp.where(ar < idx, jnp.float32(left), jnp.float32(right))
    # scatter-overwrite values at the bin index position
    encoding = jnp.where(ar == idx, values[:, :, None], encoding)
    return encoding


def reference(x, indices):
    # PiecewiseLinearEncoder.forward with indices is not None and stack=True:
    # piecewise_linear_encoding(x, indices, d_encoding=int). The range
    # assertions in the torch code only validate inputs (inputs here are
    # valid by construction) and do not change the math.
    return _lvr_encoding(x, indices, D_ENC, 1.0, 0.0)

if __name__ == "__main__":
    import jax
    _d = setup_inputs()
    print(jax.jit(kernel)(*tuple(_d.values())))

</pallas_src>

<mosaic_0001>
#map = affine_map<(d0, d1) -> (0)>
module attributes {stable_mosaic.version = 14 : i64} {
  func.func @_sc_lvr(%arg0: i32, %arg1: i32, %arg2: memref<13631488xf32, #tpu.memory_space<hbm>>, %arg3: memref<13631488xi32, #tpu.memory_space<hbm>>, %arg4: memref<16xi32, #tpu.memory_space<hbm>>, %arg5: memref<16xi32, #tpu.memory_space<hbm>>, %arg6: memref<54525952xf32, #tpu.memory_space<hbm>>, %arg7: memref<2048xf32, #tpu.memory_space<vmem>>, %arg8: memref<2048xi32, #tpu.memory_space<vmem>>, %arg9: memref<8192xf32, #tpu.memory_space<vmem>>, %arg10: memref<16xi32, #tpu.memory_space<vmem>>, %arg11: memref<16xi32, #tpu.memory_space<vmem>>) attributes {dimension_semantics = [#tpu.dimension_semantics<core_parallel>, #tpu.dimension_semantics<subcore_parallel>], iteration_bounds = array<i64: 2, 16>, scalar_prefetch = 0 : i64, scratch_operands = 5 : i64, tpu.core_type = #tpu.core_type<sc_vector_subcore>, window_params = [{transform_indices = #map}, {transform_indices = #map}, {transform_indices = #map}, {transform_indices = #map}, {transform_indices = #map}]} {
    %mul3A = arith.constant 2 : i32
    %mul3A_0 = arith.muli %arg1, %mul3A : i32
    %add3A = arith.addi %mul3A_0, %arg0 : i32
    %mul3A_1 = arith.constant 425984 : i32
    %mul3A_2 = arith.muli %add3A, %mul3A_1 : i32
    "tpu.region"() ({
      %run_scoped3A = tpu.sem_alloc : memref<!tpu.dma_semaphore, #tpu.memory_space<semaphore_mem>>
      tpu.enqueue_dma source(%arg4 : memref<16xi32, #tpu.memory_space<hbm>>) target(%arg10 : memref<16xi32, #tpu.memory_space<vmem>>) target_semaphore(%run_scoped3A : memref<!tpu.dma_semaphore, #tpu.memory_space<semaphore_mem>>)
      tpu.wait_dma2 semaphore(%run_scoped3A : memref<!tpu.dma_semaphore, #tpu.memory_space<semaphore_mem>>) src(%arg4 : memref<16xi32, #tpu.memory_space<hbm>>) dst(%arg10 : memref<16xi32, #tpu.memory_space<vmem>>)
      tpu.yield
    }) : () -> ()
    "tpu.region"() ({
      %run_scoped3A = tpu.sem_alloc : memref<!tpu.dma_semaphore, #tpu.memory_space<semaphore_mem>>
      tpu.enqueue_dma source(%arg5 : memref<16xi32, #tpu.memory_space<hbm>>) target(%arg11 : memref<16xi32, #tpu.memory_space<vmem>>) target_semaphore(%run_scoped3A : memref<!tpu.dma_semaphore, #tpu.memory_space<semaphore_mem>>)
      tpu.wait_dma2 semaphore(%run_scoped3A : memref<!tpu.dma_semaphore, #tpu.memory_space<semaphore_mem>>) src(%arg5 : memref<16xi32, #tpu.memory_space<hbm>>) dst(%arg11 : memref<16xi32, #tpu.memory_space<vmem>>)
      tpu.yield
    }) : () -> ()
    %scan3A = arith.constant 0 : i32
    %scan3A_3 = arith.constant 0 : i32
    %scan3A_4 = arith.constant 208 : i32
    %scan3A_5 = arith.addi %scan3A_3, %scan3A_4 : i32
    %scan3A_6 = arith.constant 1 : i32
    scf.for %scan3A_8 = %scan3A_3 to %scan3A_5 step %scan3A_6  : i32 {
      %mul3A_9 = arith.constant 2048 : i32
      %mul3A_10 = arith.muli %scan3A_8, %mul3A_9 : i32
      %add3A_11 = arith.addi %mul3A_2, %mul3A_10 : i32
      "tpu.region"() ({
        %run_scoped3A = tpu.sem_alloc : memref<!tpu.dma_semaphore, #tpu.memory_space<semaphore_mem>>
        %dma_start3A = tpu.memref_slice %arg2[%add3A_11] : memref<13631488xf32, #tpu.memory_space<hbm>> -> memref<2048xf32, #tpu.memory_space<hbm>>
        %dma_start3A_25 = tpu.memref_slice %arg2[%add3A_11] : memref<13631488xf32, #tpu.memory_space<hbm>> -> memref<2048xf32, #tpu.memory_space<hbm>>
        tpu.enqueue_dma source(%dma_start3A_25 : memref<2048xf32, #tpu.memory_space<hbm>>) target(%arg7 : memref<2048xf32, #tpu.memory_space<vmem>>) target_semaphore(%run_scoped3A : memref<!tpu.dma_semaphore, #tpu.memory_space<semaphore_mem>>)
        %dma_wait3A = tpu.memref_slice %arg2[%add3A_11] : memref<13631488xf32, #tpu.memory_space<hbm>> -> memref<2048xf32, #tpu.memory_space<hbm>>
        %dma_wait3A_26 = tpu.memref_slice %arg2[%add3A_11] : memref<13631488xf32, #tpu.memory_space<hbm>> -> memref<2048xf32, #tpu.memory_space<hbm>>
        tpu.wait_dma2 semaphore(%run_scoped3A : memref<!tpu.dma_semaphore, #tpu.memory_space<semaphore_mem>>) src(%dma_wait3A_26 : memref<2048xf32, #tpu.memory_space<hbm>>) dst(%arg7 : memref<2048xf32, #tpu.memory_space<vmem>>)
        tpu.yield
      }) : () -> ()
      "tpu.region"() ({
        %run_scoped3A = tpu.sem_alloc : memref<!tpu.dma_semaphore, #tpu.memory_space<semaphore_mem>>
        %dma_start3A = tpu.memref_slice %arg3[%add3A_11] : memref<13631488xi32, #tpu.memory_space<hbm>> -> memref<2048xi32, #tpu.memory_space<hbm>>
        %dma_start3A_25 = tpu.memref_slice %arg3[%add3A_11] : memref<13631488xi32, #tpu.memory_space<hbm>> -> memref<2048xi32, #tpu.memory_space<hbm>>
        tpu.enqueue_dma source(%dma_start3A_25 : memref<2048xi32, #tpu.memory_space<hbm>>) target(%arg8 : memref<2048xi32, #tpu.memory_space<vmem>>) target_semaphore(%run_scoped3A : memref<!tpu.dma_semaphore, #tpu.memory_space<semaphore_mem>>)
        %dma_wait3A = tpu.memref_slice %arg3[%add3A_11] : memref<13631488xi32, #tpu.memory_space<hbm>> -> memref<2048xi32, #tpu.memory_space<hbm>>
        %dma_wait3A_26 = tpu.memref_slice %arg3[%add3A_11] : memref<13631488xi32, #tpu.memory_space<hbm>> -> memref<2048xi32, #tpu.memory_space<hbm>>
        tpu.wait_dma2 semaphore(%run_scoped3A : memref<!tpu.dma_semaphore, #tpu.memory_space<semaphore_mem>>) src(%dma_wait3A_26 : memref<2048xi32, #tpu.memory_space<hbm>>) dst(%arg8 : memref<2048xi32, #tpu.memory_space<vmem>>)
        tpu.yield
      }) : () -> ()
      %get3A = arith.constant 0 : index
      %get3A_12 = tpu.vector_load %arg10[%get3A] {strides = array<i32>} : memref<16xi32, #tpu.memory_space<vmem>>, vector<16xi32>,
      %get3A_13 = vector.shape_cast %get3A_12 : vector<16xi32> to vector<16xi32>
      %get3A_14 = arith.constant 0 : index
      %get3A_15 = tpu.vector_load %arg11[%get3A_14] {strides = array<i32>} : memref<16xi32, #tpu.memory_space<vmem>>, vector<16xi32>,
      %get3A_16 = vector.shape_cast %get3A_15 : vector<16xi32> to vector<16xi32>
      %scan3A_17 = arith.constant 0 : i32
      %scan3A_18 = arith.constant 0 : i32
      %scan3A_19 = arith.constant 128 : i32
      %scan3A_20 = arith.addi %scan3A_18, %scan3A_19 : i32
      %scan3A_21 = arith.constant 1 : i32
      scf.for %scan3A_25 = %scan3A_18 to %scan3A_20 step %scan3A_21  : i32 {
        %mul3A_26 = arith.constant 16 : i32
        %mul3A_27 = arith.muli %scan3A_25, %mul3A_26 : i32
        %get3A_28 = arith.index_cast %mul3A_27 : i32 to index
        %get3A_29 = tpu.vector_load %arg7[%get3A_28] {strides = array<i32>} : memref<2048xf32, #tpu.memory_space<vmem>>, vector<16xf32>,
        %get3A_30 = vector.shape_cast %get3A_29 : vector<16xf32> to vector<16xf32>
        %mul3A_31 = arith.constant 16 : i32
        %mul3A_32 = arith.muli %scan3A_25, %mul3A_31 : i32
        %get3A_33 = arith.index_cast %mul3A_32 : i32 to index
        %get3A_34 = tpu.vector_load %arg8[%get3A_33] {strides = array<i32>} : memref<2048xi32, #tpu.memory_space<vmem>>, vector<16xi32>,
        %get3A_35 = vector.shape_cast %get3A_34 : vector<16xi32> to vector<16xi32>
        %broadcast_in_dim3A = arith.constant 0.000000e+00 : f32
        %broadcast_in_dim3A_36 = vector.broadcast %broadcast_in_dim3A : f32 to vector<16xf32>
        %slice3A = vector.extract_strided_slice %get3A_30 {offsets = [0], sizes = [1], strides = [1]} : vector<16xf32> to vector<1xf32>
        %squeeze3A = vector.extract %slice3A[0] : f32 from vector<1xf32>
        %slice3A_37 = vector.extract_strided_slice %get3A_35 {offsets = [0], sizes = [1], strides = [1]} : vector<16xi32> to vector<1xi32>
        %squeeze3A_38 = vector.extract %slice3A_37[0] : i32 from vector<1xi32>
        %lt3A = vector.broadcast %squeeze3A_38 : i32 to vector<16xi32>
        %lt3A_39 = arith.cmpi slt, %get3A_13, %lt3A : vector<16xi32>
        %gt3A = vector.broadcast %squeeze3A_38 : i32 to vector<16xi32>
        %gt3A_40 = arith.cmpi sgt, %get3A_13, %gt3A : vector<16xi32>
        %jit3A = arith.constant 0.000000e+00 : f32
        %broadcast_in_dim3A_41 = vector.broadcast %jit3A : f32 to vector<16xf32>
        %broadcast_in_dim3A_42 = vector.broadcast %squeeze3A : f32 to vector<16xf32>
        %select_n3A = arith.select %gt3A_40, %broadcast_in_dim3A_41, %broadcast_in_dim3A_42 : vector<16xi1>, vector<16xf32>
        %jit3A_43 = arith.constant 1.000000e+00 : f32
        %broadcast_in_dim3A_44 = vector.broadcast %jit3A_43 : f32 to vector<16xf32>
        %select_n3A_45 = arith.select %lt3A_39, %broadcast_in_dim3A_44, %select_n3A : vector<16xi1>, vector<16xf32>
        %eq3A = arith.constant 0 : i32
        %eq3A_46 = vector.broadcast %eq3A : i32 to vector<16xi32>
        %eq3A_47 = arith.cmpi eq, %get3A_16, %eq3A_46 : vector<16xi32>
        %select_n3A_48 = arith.select %eq3A_47, %select_n3A_45, %broadcast_in_dim3A_36 : vector<16xi1>, vector<16xf32>
        %slice3A_49 = vector.extract_strided_slice %get3A_30 {offsets = [1], sizes = [1], strides = [1]} : vector<16xf32> to vector<1xf32>
        %squeeze3A_50 = vector.extract %slice3A_49[0] : f32 from vector<1xf32>
        %slice3A_51 = vector.extract_strided_slice %get3A_35 {offsets = [1], sizes = [1], strides = [1]} : vector<16xi32> to vector<1xi32>
        %squeeze3A_52 = vector.extract %slice3A_51[0] : i32 from vector<1xi32>
        %lt3A_53 = vector.broadcast %squeeze3A_52 : i32 to vector<16xi32>
        %lt3A_54 = arith.cmpi slt, %get3A_13, %lt3A_53 : vector<16xi32>
        %gt3A_55 = vector.broadcast %squeeze3A_52 : i32 to vector<16xi32>
        %gt3A_56 = arith.cmpi sgt, %get3A_13, %gt3A_55 : vector<16xi32>
        %jit3A_57 = arith.constant 0.000000e+00 : f32
        %broadcast_in_dim3A_58 = vector.broadcast %jit3A_57 : f32 to vector<16xf32>
        %broadcast_in_dim3A_59 = vector.broadcast %squeeze3A_50 : f32 to vector<16xf32>
        %select_n3A_60 = arith.select %gt3A_56, %broadcast_in_dim3A_58, %broadcast_in_dim3A_59 : vector<16xi1>, vector<16xf32>
        %jit3A_61 = arith.constant 1.000000e+00 : f32
        %broadcast_in_dim3A_62 = vector.broadcast %jit3A_61 : f32 to vector<16xf32>
        %select_n3A_63 = arith.select %lt3A_54, %broadcast_in_dim3A_62, %select_n3A_60 : vector<16xi1>, vector<16xf32>
        %eq3A_64 = arith.constant 1 : i32
        %eq3A_65 = vector.broadcast %eq3A_64 : i32 to vector<16xi32>
        %eq3A_66 = arith.cmpi eq, %get3A_16, %eq3A_65 : vector<16xi32>
        %select_n3A_67 = arith.select %eq3A_66, %select_n3A_63, %select_n3A_48 : vector<16xi1>, vector<16xf32>
        %slice3A_68 = vector.extract_strided_slice %get3A_30 {offsets = [2], sizes = [1], strides = [1]} : vector<16xf32> to vector<1xf32>
        %squeeze3A_69 = vector.extract %slice3A_68[0] : f32 from vector<1xf32>
        %slice3A_70 = vector.extract_strided_slice %get3A_35 {offsets = [2], sizes = [1], strides = [1]} : vector<16xi32> to vector<1xi32>
        %squeeze3A_71 = vector.extract %slice3A_70[0] : i32 from vector<1xi32>
        %lt3A_72 = vector.broadcast %squeeze3A_71 : i32 to vector<16xi32>
        %lt3A_73 = arith.cmpi slt, %get3A_13, %lt3A_72 : vector<16xi32>
        %gt3A_74 = vector.broadcast %squeeze3A_71 : i32 to vector<16xi32>
        %gt3A_75 = arith.cmpi sgt, %get3A_13, %gt3A_74 : vector<16xi32>
        %jit3A_76 = arith.constant 0.000000e+00 : f32
        %broadcast_in_dim3A_77 = vector.broadcast %jit3A_76 : f32 to vector<16xf32>
        %broadcast_in_dim3A_78 = vector.broadcast %squeeze3A_69 : f32 to vector<16xf32>
        %select_n3A_79 = arith.select %gt3A_75, %broadcast_in_dim3A_77, %broadcast_in_dim3A_78 : vector<16xi1>, vector<16xf32>
        %jit3A_80 = arith.constant 1.000000e+00 : f32
        %broadcast_in_dim3A_81 = vector.broadcast %jit3A_80 : f32 to vector<16xf32>
        %select_n3A_82 = arith.select %lt3A_73, %broadcast_in_dim3A_81, %select_n3A_79 : vector<16xi1>, vector<16xf32>
        %eq3A_83 = arith.constant 2 : i32
        %eq3A_84 = vector.broadcast %eq3A_83 : i32 to vector<16xi32>
        %eq3A_85 = arith.cmpi eq, %get3A_16, %eq3A_84 : vector<16xi32>
        %select_n3A_86 = arith.select %eq3A_85, %select_n3A_82, %select_n3A_67 : vector<16xi1>, vector<16xf32>
        %slice3A_87 = vector.extract_strided_slice %get3A_30 {offsets = [3], sizes = [1], strides = [1]} : vector<16xf32> to vector<1xf32>
        %squeeze3A_88 = vector.extract %slice3A_87[0] : f32 from vector<1xf32>
        %slice3A_89 = vector.extract_strided_slice %get3A_35 {offsets = [3], sizes = [1], strides = [1]} : vector<16xi32> to vector<1xi32>
        %squeeze3A_90 = vector.extract %slice3A_89[0] : i32 from vector<1xi32>
        %lt3A_91 = vector.broadcast %squeeze3A_90 : i32 to vector<16xi32>
        %lt3A_92 = arith.cmpi slt, %get3A_13, %lt3A_91 : vector<16xi32>
        %gt3A_93 = vector.broadcast %squeeze3A_90 : i32 to vector<16xi32>
        %gt3A_94 = arith.cmpi sgt, %get3A_13, %gt3A_93 : vector<16xi32>
        %jit3A_95 = arith.constant 0.000000e+00 : f32
        %broadcast_in_dim3A_96 = vector.broadcast %jit3A_95 : f32 to vector<16xf32>
        %broadcast_in_dim3A_97 = vector.broadcast %squeeze3A_88 : f32 to vector<16xf32>
        %select_n3A_98 = arith.select %gt3A_94, %broadcast_in_dim3A_96, %broadcast_in_dim3A_97 : vector<16xi1>, vector<16xf32>
        %jit3A_99 = arith.constant 1.000000e+00 : f32
        %broadcast_in_dim3A_100 = vector.broadcast %jit3A_99 : f32 to vector<16xf32>
        %select_n3A_101 = arith.select %lt3A_92, %broadcast_in_dim3A_100, %select_n3A_98 : vector<16xi1>, vector<16xf32>
        %eq3A_102 = arith.constant 3 : i32
        %eq3A_103 = vector.broadcast %eq3A_102 : i32 to vector<16xi32>
        %eq3A_104 = arith.cmpi eq, %get3A_16, %eq3A_103 : vector<16xi32>
        %select_n3A_105 = arith.select %eq3A_104, %select_n3A_101, %select_n3A_86 : vector<16xi1>, vector<16xf32>
        %mul3A_106 = arith.constant 64 : i32
        %mul3A_107 = arith.muli %scan3A_25, %mul3A_106 : i32
        %add3A_108 = arith.constant 0 : i32
        %add3A_109 = arith.addi %mul3A_107, %add3A_108 : i32
        %swap3A = arith.index_cast %add3A_109 : i32 to index
        %swap3A_110 = tpu.vector_load %arg9[%swap3A] {strides = array<i32>} : memref<8192xf32, #tpu.memory_space<vmem>>, vector<16xf32>,
        %swap3A_111 = vector.shape_cast %swap3A_110 : vector<16xf32> to vector<16xf32>
        %swap3A_112 = vector.shape_cast %select_n3A_105 : vector<16xf32> to vector<16xf32>
        tpu.vector_store %arg9[%swap3A], %swap3A_112 {strides = array<i32>} : memref<8192xf32, #tpu.memory_space<vmem>>, vector<16xf32>,
        %broadcast_in_dim3A_113 = arith.constant 0.000000e+00 : f32
        %broadcast_in_dim3A_114 = vector.broadcast %broadcast_in_dim3A_113 : f32 to vector<16xf32>
        %slice3A_115 = vector.extract_strided_slice %get3A_30 {offsets = [4], sizes = [1], strides = [1]} : vector<16xf32> to vector<1xf32>
        %squeeze3A_116 = vector.extract %slice3A_115[0] : f32 from vector<1xf32>
        %slice3A_117 = vector.extract_strided_slice %get3A_35 {offsets = [4], sizes = [1], strides = [1]} : vector<16xi32> to vector<1xi32>
        %squeeze3A_118 = vector.extract %slice3A_117[0] : i32 from vector<1xi32>
        %lt3A_119 = vector.broadcast %squeeze3A_118 : i32 to vector<16xi32>
        %lt3A_120 = arith.cmpi slt, %get3A_13, %lt3A_119 : vector<16xi32>
        %gt3A_121 = vector.broadcast %squeeze3A_118 : i32 to vector<16xi32>
        %gt3A_122 = arith.cmpi sgt, %get3A_13, %gt3A_121 : vector<16xi32>
        %jit3A_123 = arith.constant 0.000000e+00 : f32
        %broadcast_in_dim3A_124 = vector.broadcast %jit3A_123 : f32 to vector<16xf32>
        %broadcast_in_dim3A_125 = vector.broadcast %squeeze3A_116 : f32 to vector<16xf32>
        %select_n3A_126 = arith.select %gt3A_122, %broadcast_in_dim3A_124, %broadcast_in_dim3A_125 : vector<16xi1>, vector<16xf32>
        %jit3A_127 = arith.constant 1.000000e+00 : f32
        %broadcast_in_dim3A_128 = vector.broadcast %jit3A_127 : f32 to vector<16xf32>
        %select_n3A_129 = arith.select %lt3A_120, %broadcast_in_dim3A_128, %select_n3A_126 : vector<16xi1>, vector<16xf32>
        %eq3A_130 = arith.constant 0 : i32
        %eq3A_131 = vector.broadcast %eq3A_130 : i32 to vector<16xi32>
        %eq3A_132 = arith.cmpi eq, %get3A_16, %eq3A_131 : vector<16xi32>
        %select_n3A_133 = arith.select %eq3A_132, %select_n3A_129, %broadcast_in_dim3A_114 : vector<16xi1>, vector<16xf32>
        %slice3A_134 = vector.extract_strided_slice %get3A_30 {offsets = [5], sizes = [1], strides = [1]} : vector<16xf32> to vector<1xf32>
        %squeeze3A_135 = vector.extract %slice3A_134[0] : f32 from vector<1xf32>
        %slice3A_136 = vector.extract_strided_slice %get3A_35 {offsets = [5], sizes = [1], strides = [1]} : vector<16xi32> to vector<1xi32>
        %squeeze3A_137 = vector.extract %slice3A_136[0] : i32 from vector<1xi32>
        %lt3A_138 = vector.broadcast %squeeze3A_137 : i32 to vector<16xi32>
        %lt3A_139 = arith.cmpi slt, %get3A_13, %lt3A_138 : vector<16xi32>
        %gt3A_140 = vector.broadcast %squeeze3A_137 : i32 to vector<16xi32>
        %gt3A_141 = arith.cmpi sgt, %get3A_13, %gt3A_140 : vector<16xi32>
        %jit3A_142 = arith.constant 0.000000e+00 : f32
        %broadcast_in_dim3A_143 = vector.broadcast %jit3A_142 : f32 to vector<16xf32>
        %broadcast_in_dim3A_144 = vector.broadcast %squeeze3A_135 : f32 to vector<16xf32>
        %select_n3A_145 = arith.select %gt3A_141, %broadcast_in_dim3A_143, %broadcast_in_dim3A_144 : vector<16xi1>, vector<16xf32>
        %jit3A_146 = arith.constant 1.000000e+00 : f32
        %broadcast_in_dim3A_147 = vector.broadcast %jit3A_146 : f32 to vector<16xf32>
        %select_n3A_148 = arith.select %lt3A_139, %broadcast_in_dim3A_147, %select_n3A_145 : vector<16xi1>, vector<16xf32>
        %eq3A_149 = arith.constant 1 : i32
        %eq3A_150 = vector.broadcast %eq3A_149 : i32 to vector<16xi32>
        %eq3A_151 = arith.cmpi eq, %get3A_16, %eq3A_150 : vector<16xi32>
        %select_n3A_152 = arith.select %eq3A_151, %select_n3A_148, %select_n3A_133 : vector<16xi1>, vector<16xf32>
        %slice3A_153 = vector.extract_strided_slice %get3A_30 {offsets = [6], sizes = [1], strides = [1]} : vector<16xf32> to vector<1xf32>
        %squeeze3A_154 = vector.extract %slice3A_153[0] : f32 from vector<1xf32>
        %slice3A_155 = vector.extract_strided_slice %get3A_35 {offsets = [6], sizes = [1], strides = [1]} : vector<16xi32> to vector<1xi32>
        %squeeze3A_156 = vector.extract %slice3A_155[0] : i32 from vector<1xi32>
        %lt3A_157 = vector.broadcast %squeeze3A_156 : i32 to vector<16xi32>
        %lt3A_158 = arith.cmpi slt, %get3A_13, %lt3A_157 : vector<16xi32>
        %gt3A_159 = vector.broadcast %squeeze3A_156 : i32 to vector<16xi32>
        %gt3A_160 = arith.cmpi sgt, %get3A_13, %gt3A_159 : vector<16xi32>
        %jit3A_161 = arith.constant 0.000000e+00 : f32
        %broadcast_in_dim3A_162 = vector.broadcast %jit3A_161 : f32 to vector<16xf32>
        %broadcast_in_dim3A_163 = vector.broadcast %squeeze3A_154 : f32 to vector<16xf32>
        %select_n3A_164 = arith.select %gt3A_160, %broadcast_in_dim3A_162, %broadcast_in_dim3A_163 : vector<16xi1>, vector<16xf32>
        %jit3A_165 = arith.constant 1.000000e+00 : f32
        %broadcast_in_dim3A_166 = vector.broadcast %jit3A_165 : f32 to vector<16xf32>
        %select_n3A_167 = arith.select %lt3A_158, %broadcast_in_dim3A_166, %select_n3A_164 : vector<16xi1>, vector<16xf32>
        %eq3A_168 = arith.constant 2 : i32
        %eq3A_169 = vector.broadcast %eq3A_168 : i32 to vector<16xi32>
        %eq3A_170 = arith.cmpi eq, %get3A_16, %eq3A_169 : vector<16xi32>
        %select_n3A_171 = arith.select %eq3A_170, %select_n3A_167, %select_n3A_152 : vector<16xi1>, vector<16xf32>
        %slice3A_172 = vector.extract_strided_slice %get3A_30 {offsets = [7], sizes = [1], strides = [1]} : vector<16xf32> to vector<1xf32>
        %squeeze3A_173 = vector.extract %slice3A_172[0] : f32 from vector<1xf32>
        %slice3A_174 = vector.extract_strided_slice %get3A_35 {offsets = [7], sizes = [1], strides = [1]} : vector<16xi32> to vector<1xi32>
        %squeeze3A_175 = vector.extract %slice3A_174[0] : i32 from vector<1xi32>
        %lt3A_176 = vector.broadcast %squeeze3A_175 : i32 to vector<16xi32>
        %lt3A_177 = arith.cmpi slt, %get3A_13, %lt3A_176 : vector<16xi32>
        %gt3A_178 = vector.broadcast %squeeze3A_175 : i32 to vector<16xi32>
        %gt3A_179 = arith.cmpi sgt, %get3A_13, %gt3A_178 : vector<16xi32>
        %jit3A_180 = arith.constant 0.000000e+00 : f32
        %broadcast_in_dim3A_181 = vector.broadcast %jit3A_180 : f32 to vector<16xf32>
        %broadcast_in_dim3A_182 = vector.broadcast %squeeze3A_173 : f32 to vector<16xf32>
        %select_n3A_183 = arith.select %gt3A_179, %broadcast_in_dim3A_181, %broadcast_in_dim3A_182 : vector<16xi1>, vector<16xf32>
        %jit3A_184 = arith.constant 1.000000e+00 : f32
        %broadcast_in_dim3A_185 = vector.broadcast %jit3A_184 : f32 to vector<16xf32>
        %select_n3A_186 = arith.select %lt3A_177, %broadcast_in_dim3A_185, %select_n3A_183 : vector<16xi1>, vector<16xf32>
        %eq3A_187 = arith.constant 3 : i32
        %eq3A_188 = vector.broadcast %eq3A_187 : i32 to vector<16xi32>
        %eq3A_189 = arith.cmpi eq, %get3A_16, %eq3A_188 : vector<16xi32>
        %select_n3A_190 = arith.select %eq3A_189, %select_n3A_186, %select_n3A_171 : vector<16xi1>, vector<16xf32>
        %mul3A_191 = arith.constant 64 : i32
        %mul3A_192 = arith.muli %scan3A_25, %mul3A_191 : i32
        %add3A_193 = arith.constant 16 : i32
        %add3A_194 = arith.addi %mul3A_192, %add3A_193 : i32
        %swap3A_195 = arith.index_cast %add3A_194 : i32 to index
        %swap3A_196 = tpu.vector_load %arg9[%swap3A_195] {strides = array<i32>} : memref<8192xf32, #tpu.memory_space<vmem>>, vector<16xf32>,
        %swap3A_197 = vector.shape_cast %swap3A_196 : vector<16xf32> to vector<16xf32>
        %swap3A_198 = vector.shape_cast %select_n3A_190 : vector<16xf32> to vector<16xf32>
        tpu.vector_store %arg9[%swap3A_195], %swap3A_198 {strides = array<i32>} : memref<8192xf32, #tpu.memory_space<vmem>>, vector<16xf32>,
        %broadcast_in_dim3A_199 = arith.constant 0.000000e+00 : f32
        %broadcast_in_dim3A_200 = vector.broadcast %broadcast_in_dim3A_199 : f32 to vector<16xf32>
        %slice3A_201 = vector.extract_strided_slice %get3A_30 {offsets = [8], sizes = [1], strides = [1]} : vector<16xf32> to vector<1xf32>
        %squeeze3A_202 = vector.extract %slice3A_201[0] : f32 from vector<1xf32>
        %slice3A_203 = vector.extract_strided_slice %get3A_35 {offsets = [8], sizes = [1], strides = [1]} : vector<16xi32> to vector<1xi32>
        %squeeze3A_204 = vector.extract %slice3A_203[0] : i32 from vector<1xi32>
        %lt3A_205 = vector.broadcast %squeeze3A_204 : i32 to vector<16xi32>
        %lt3A_206 = arith.cmpi slt, %get3A_13, %lt3A_205 : vector<16xi32>
        %gt3A_207 = vector.broadcast %squeeze3A_204 : i32 to vector<16xi32>
        %gt3A_208 = arith.cmpi sgt, %get3A_13, %gt3A_207 : vector<16xi32>
        %jit3A_209 = arith.constant 0.000000e+00 : f32
        %broadcast_in_dim3A_210 = vector.broadcast %jit3A_209 : f32 to vector<16xf32>
        %broadcast_in_dim3A_211 = vector.broadcast %squeeze3A_202 : f32 to vector<16xf32>
        %select_n3A_212 = arith.select %gt3A_208, %broadcast_in_dim3A_210, %broadcast_in_dim3A_211 : vector<16xi1>, vector<16xf32>
        %jit3A_213 = arith.constant 1.000000e+00 : f32
        %broadcast_in_dim3A_214 = vector.broadcast %jit3A_213 : f32 to vector<16xf32>
        %select_n3A_215 = arith.select %lt3A_206, %broadcast_in_dim3A_214, %select_n3A_212 : vector<16xi1>, vector<16xf32>
        %eq3A_216 = arith.constant 0 : i32
        %eq3A_217 = vector.broadcast %eq3A_216 : i32 to vector<16xi32>
        %eq3A_218 = arith.cmpi eq, %get3A_16, %eq3A_217 : vector<16xi32>
        %select_n3A_219 = arith.select %eq3A_218, %select_n3A_215, %broadcast_in_dim3A_200 : vector<16xi1>, vector<16xf32>
        %slice3A_220 = vector.extract_strided_slice %get3A_30 {offsets = [9], sizes = [1], strides = [1]} : vector<16xf32> to vector<1xf32>
        %squeeze3A_221 = vector.extract %slice3A_220[0] : f32 from vector<1xf32>
        %slice3A_222 = vector.extract_strided_slice %get3A_35 {offsets = [9], sizes = [1], strides = [1]} : vector<16xi32> to vector<1xi32>
        %squeeze3A_223 = vector.extract %slice3A_222[0] : i32 from vector<1xi32>
        %lt3A_224 = vector.broadcast %squeeze3A_223 : i32 to vector<16xi32>
        %lt3A_225 = arith.cmpi slt, %get3A_13, %lt3A_224 : vector<16xi32>
        %gt3A_226 = vector.broadcast %squeeze3A_223 : i32 to vector<16xi32>
        %gt3A_227 = arith.cmpi sgt, %get3A_13, %gt3A_226 : vector<16xi32>
        %jit3A_228 = arith.constant 0.000000e+00 : f32
        %broadcast_in_dim3A_229 = vector.broadcast %jit3A_228 : f32 to vector<16xf32>
        %broadcast_in_dim3A_230 = vector.broadcast %squeeze3A_221 : f32 to vector<16xf32>
        %select_n3A_231 = arith.select %gt3A_227, %broadcast_in_dim3A_229, %broadcast_in_dim3A_230 : vector<16xi1>, vector<16xf32>
        %jit3A_232 = arith.constant 1.000000e+00 : f32
        %broadcast_in_dim3A_233 = vector.broadcast %jit3A_232 : f32 to vector<16xf32>
        %select_n3A_234 = arith.select %lt3A_225, %broadcast_in_dim3A_233, %select_n3A_231 : vector<16xi1>, vector<16xf32>
        %eq3A_235 = arith.constant 1 : i32
        %eq3A_236 = vector.broadcast %eq3A_235 : i32 to vector<16xi32>
        %eq3A_237 = arith.cmpi eq, %get3A_16, %eq3A_236 : vector<16xi32>
        %select_n3A_238 = arith.select %eq3A_237, %select_n3A_234, %select_n3A_219 : vector<16xi1>, vector<16xf32>
        %slice3A_239 = vector.extract_strided_slice %get3A_30 {offsets = [10], sizes = [1], strides = [1]} : vector<16xf32> to vector<1xf32>
        %squeeze3A_240 = vector.extract %slice3A_239[0] : f32 from vector<1xf32>
        %slice3A_241 = vector.extract_strided_slice %get3A_35 {offsets = [10], sizes = [1], strides = [1]} : vector<16xi32> to vector<1xi32>
        %squeeze3A_242 = vector.extract %slice3A_241[0] : i32 from vector<1xi32>
        %lt3A_243 = vector.broadcast %squeeze3A_242 : i32 to vector<16xi32>
        %lt3A_244 = arith.cmpi slt, %get3A_13, %lt3A_243 : vector<16xi32>
        %gt3A_245 = vector.broadcast %squeeze3A_242 : i32 to vector<16xi32>
        %gt3A_246 = arith.cmpi sgt, %get3A_13, %gt3A_245 : vector<16xi32>
        %jit3A_247 = arith.constant 0.000000e+00 : f32
        %broadcast_in_dim3A_248 = vector.broadcast %jit3A_247 : f32 to vector<16xf32>
        %broadcast_in_dim3A_249 = vector.broadcast %squeeze3A_240 : f32 to vector<16xf32>
        %select_n3A_250 = arith.select %gt3A_246, %broadcast_in_dim3A_248, %broadcast_in_dim3A_249 : vector<16xi1>, vector<16xf32>
        %jit3A_251 = arith.constant 1.000000e+00 : f32
        %broadcast_in_dim3A_252 = vector.broadcast %jit3A_251 : f32 to vector<16xf32>
        %select_n3A_253 = arith.select %lt3A_244, %broadcast_in_dim3A_252, %select_n3A_250 : vector<16xi1>, vector<16xf32>
        %eq3A_254 = arith.constant 2 : i32
        %eq3A_255 = vector.broadcast %eq3A_254 : i32 to vector<16xi32>
        %eq3A_256 = arith.cmpi eq, %get3A_16, %eq3A_255 : vector<16xi32>
        %select_n3A_257 = arith.select %eq3A_256, %select_n3A_253, %select_n3A_238 : vector<16xi1>, vector<16xf32>
        %slice3A_258 = vector.extract_strided_slice %get3A_30 {offsets = [11], sizes = [1], strides = [1]} : vector<16xf32> to vector<1xf32>
        %squeeze3A_259 = vector.extract %slice3A_258[0] : f32 from vector<1xf32>
        %slice3A_260 = vector.extract_strided_slice %get3A_35 {offsets = [11], sizes = [1], strides = [1]} : vector<16xi32> to vector<1xi32>
        %squeeze3A_261 = vector.extract %slice3A_260[0] : i32 from vector<1xi32>
        %lt3A_262 = vector.broadcast %squeeze3A_261 : i32 to vector<16xi32>
        %lt3A_263 = arith.cmpi slt, %get3A_13, %lt3A_262 : vector<16xi32>
        %gt3A_264 = vector.broadcast %squeeze3A_261 : i32 to vector<16xi32>
        %gt3A_265 = arith.cmpi sgt, %get3A_13, %gt3A_264 : vector<16xi32>
        %jit3A_266 = arith.constant 0.000000e+00 : f32
        %broadcast_in_dim3A_267 = vector.broadcast %jit3A_266 : f32 to vector<16xf32>
        %broadcast_in_dim3A_268 = vector.broadcast %squeeze3A_259 : f32 to vector<16xf32>
        %select_n3A_269 = arith.select %gt3A_265, %broadcast_in_dim3A_267, %broadcast_in_dim3A_268 : vector<16xi1>, vector<16xf32>
        %jit3A_270 = arith.constant 1.000000e+00 : f32
        %broadcast_in_dim3A_271 = vector.broadcast %jit3A_270 : f32 to vector<16xf32>
        %select_n3A_272 = arith.select %lt3A_263, %broadcast_in_dim3A_271, %select_n3A_269 : vector<16xi1>, vector<16xf32>
        %eq3A_273 = arith.constant 3 : i32
        %eq3A_274 = vector.broadcast %eq3A_273 : i32 to vector<16xi32>
        %eq3A_275 = arith.cmpi eq, %get3A_16, %eq3A_274 : vector<16xi32>
        %select_n3A_276 = arith.select %eq3A_275, %select_n3A_272, %select_n3A_257 : vector<16xi1>, vector<16xf32>
        %mul3A_277 = arith.constant 64 : i32
        %mul3A_278 = arith.muli %scan3A_25, %mul3A_277 : i32
        %add3A_279 = arith.constant 32 : i32
        %add3A_280 = arith.addi %mul3A_278, %add3A_279 : i32
        %swap3A_281 = arith.index_cast %add3A_280 : i32 to index
        %swap3A_282 = tpu.vector_load %arg9[%swap3A_281] {strides = array<i32>} : memref<8192xf32, #tpu.memory_space<vmem>>, vector<16xf32>,
        %swap3A_283 = vector.shape_cast %swap3A_282 : vector<16xf32> to vector<16xf32>
        %swap3A_284 = vector.shape_cast %select_n3A_276 : vector<16xf32> to vector<16xf32>
        tpu.vector_store %arg9[%swap3A_281], %swap3A_284 {strides = array<i32>} : memref<8192xf32, #tpu.memory_space<vmem>>, vector<16xf32>,
        %broadcast_in_dim3A_285 = arith.constant 0.000000e+00 : f32
        %broadcast_in_dim3A_286 = vector.broadcast %broadcast_in_dim3A_285 : f32 to vector<16xf32>
        %slice3A_287 = vector.extract_strided_slice %get3A_30 {offsets = [12], sizes = [1], strides = [1]} : vector<16xf32> to vector<1xf32>
        %squeeze3A_288 = vector.extract %slice3A_287[0] : f32 from vector<1xf32>
        %slice3A_289 = vector.extract_strided_slice %get3A_35 {offsets = [12], sizes = [1], strides = [1]} : vector<16xi32> to vector<1xi32>
        %squeeze3A_290 = vector.extract %slice3A_289[0] : i32 from vector<1xi32>
        %lt3A_291 = vector.broadcast %squeeze3A_290 : i32 to vector<16xi32>
        %lt3A_292 = arith.cmpi slt, %get3A_13, %lt3A_291 : vector<16xi32>
        %gt3A_293 = vector.broadcast %squeeze3A_290 : i32 to vector<16xi32>
        %gt3A_294 = arith.cmpi sgt, %get3A_13, %gt3A_293 : vector<16xi32>
        %jit3A_295 = arith.constant 0.000000e+00 : f32
        %broadcast_in_dim3A_296 = vector.broadcast %jit3A_295 : f32 to vector<16xf32>
        %broadcast_in_dim3A_297 = vector.broadcast %squeeze3A_288 : f32 to vector<16xf32>
        %select_n3A_298 = arith.select %gt3A_294, %broadcast_in_dim3A_296, %broadcast_in_dim3A_297 : vector<16xi1>, vector<16xf32>
        %jit3A_299 = arith.constant 1.000000e+00 : f32
        %broadcast_in_dim3A_300 = vector.broadcast %jit3A_299 : f32 to vector<16xf32>
        %select_n3A_301 = arith.select %lt3A_292, %broadcast_in_dim3A_300, %select_n3A_298 : vector<16xi1>, vector<16xf32>
        %eq3A_302 = arith.constant 0 : i32
        %eq3A_303 = vector.broadcast %eq3A_302 : i32 to vector<16xi32>
        %eq3A_304 = arith.cmpi eq, %get3A_16, %eq3A_303 : vector<16xi32>
        %select_n3A_305 = arith.select %eq3A_304, %select_n3A_301, %broadcast_in_dim3A_286 : vector<16xi1>, vector<16xf32>
        %slice3A_306 = vector.extract_strided_slice %get3A_30 {offsets = [13], sizes = [1], strides = [1]} : vector<16xf32> to vector<1xf32>
        %squeeze3A_307 = vector.extract %slice3A_306[0] : f32 from vector<1xf32>
        %slice3A_308 = vector.extract_strided_slice %get3A_35 {offsets = [13], sizes = [1], strides = [1]} : vector<16xi32> to vector<1xi32>
        %squeeze3A_309 = vector.extract %slice3A_308[0] : i32 from vector<1xi32>
        %lt3A_310 = vector.broadcast %squeeze3A_309 : i32 to vector<16xi32>
        %lt3A_311 = arith.cmpi slt, %get3A_13, %lt3A_310 : vector<16xi32>
        %gt3A_312 = vector.broadcast %squeeze3A_309 : i32 to vector<16xi32>
        %gt3A_313 = arith.cmpi sgt, %get3A_13, %gt3A_312 : vector<16xi32>
        %jit3A_314 = arith.constant 0.000000e+00 : f32
        %broadcast_in_dim3A_315 = vector.broadcast %jit3A_314 : f32 to vector<16xf32>
        %broadcast_in_dim3A_316 = vector.broadcast %squeeze3A_307 : f32 to vector<16xf32>
        %select_n3A_317 = arith.select %gt3A_313, %broadcast_in_dim3A_315, %broadcast_in_dim3A_316 : vector<16xi1>, vector<16xf32>
        %jit3A_318 = arith.constant 1.000000e+00 : f32
        %broadcast_in_dim3A_319 = vector.broadcast %jit3A_318 : f32 to vector<16xf32>
        %select_n3A_320 = arith.select %lt3A_311, %broadcast_in_dim3A_319, %select_n3A_317 : vector<16xi1>, vector<16xf32>
        %eq3A_321 = arith.constant 1 : i32
        %eq3A_322 = vector.broadcast %eq3A_321 : i32 to vector<16xi32>
        %eq3A_323 = arith.cmpi eq, %get3A_16, %eq3A_322 : vector<16xi32>
        %select_n3A_324 = arith.select %eq3A_323, %select_n3A_320, %select_n3A_305 : vector<16xi1>, vector<16xf32>
        %slice3A_325 = vector.extract_strided_slice %get3A_30 {offsets = [14], sizes = [1], strides = [1]} : vector<16xf32> to vector<1xf32>
        %squeeze3A_326 = vector.extract %slice3A_325[0] : f32 from vector<1xf32>
        %slice3A_327 = vector.extract_strided_slice %get3A_35 {offsets = [14], sizes = [1], strides = [1]} : vector<16xi32> to vector<1xi32>
        %squeeze3A_328 = vector.extract %slice3A_327[0] : i32 from vector<1xi32>
        %lt3A_329 = vector.broadcast %squeeze3A_328 : i32 to vector<16xi32>
        %lt3A_330 = arith.cmpi slt, %get3A_13, %lt3A_329 : vector<16xi32>
        %gt3A_331 = vector.broadcast %squeeze3A_328 : i32 to vector<16xi32>
        %gt3A_332 = arith.cmpi sgt, %get3A_13, %gt3A_331 : vector<16xi32>
        %jit3A_333 = arith.constant 0.000000e+00 : f32
        %broadcast_in_dim3A_334 = vector.broadcast %jit3A_333 : f32 to vector<16xf32>
        %broadcast_in_dim3A_335 = vector.broadcast %squeeze3A_326 : f32 to vector<16xf32>
        %select_n3A_336 = arith.select %gt3A_332, %broadcast_in_dim3A_334, %broadcast_in_dim3A_335 : vector<16xi1>, vector<16xf32>
        %jit3A_337 = arith.constant 1.000000e+00 : f32
        %broadcast_in_dim3A_338 = vector.broadcast %jit3A_337 : f32 to vector<16xf32>
        %select_n3A_339 = arith.select %lt3A_330, %broadcast_in_dim3A_338, %select_n3A_336 : vector<16xi1>, vector<16xf32>
        %eq3A_340 = arith.constant 2 : i32
        %eq3A_341 = vector.broadcast %eq3A_340 : i32 to vector<16xi32>
        %eq3A_342 = arith.cmpi eq, %get3A_16, %eq3A_341 : vector<16xi32>
        %select_n3A_343 = arith.select %eq3A_342, %select_n3A_339, %select_n3A_324 : vector<16xi1>, vector<16xf32>
        %slice3A_344 = vector.extract_strided_slice %get3A_30 {offsets = [15], sizes = [1], strides = [1]} : vector<16xf32> to vector<1xf32>
        %squeeze3A_345 = vector.extract %slice3A_344[0] : f32 from vector<1xf32>
        %slice3A_346 = vector.extract_strided_slice %get3A_35 {offsets = [15], sizes = [1], strides = [1]} : vector<16xi32> to vector<1xi32>
        %squeeze3A_347 = vector.extract %slice3A_346[0] : i32 from vector<1xi32>
        %lt3A_348 = vector.broadcast %squeeze3A_347 : i32 to vector<16xi32>
        %lt3A_349 = arith.cmpi slt, %get3A_13, %lt3A_348 : vector<16xi32>
        %gt3A_350 = vector.broadcast %squeeze3A_347 : i32 to vector<16xi32>
        %gt3A_351 = arith.cmpi sgt, %get3A_13, %gt3A_350 : vector<16xi32>
        %jit3A_352 = arith.constant 0.000000e+00 : f32
        %broadcast_in_dim3A_353 = vector.broadcast %jit3A_352 : f32 to vector<16xf32>
        %broadcast_in_dim3A_354 = vector.broadcast %squeeze3A_345 : f32 to vector<16xf32>
        %select_n3A_355 = arith.select %gt3A_351, %broadcast_in_dim3A_353, %broadcast_in_dim3A_354 : vector<16xi1>, vector<16xf32>
        %jit3A_356 = arith.constant 1.000000e+00 : f32
        %broadcast_in_dim3A_357 = vector.broadcast %jit3A_356 : f32 to vector<16xf32>
        %select_n3A_358 = arith.select %lt3A_349, %broadcast_in_dim3A_357, %select_n3A_355 : vector<16xi1>, vector<16xf32>
        %eq3A_359 = arith.constant 3 : i32
        %eq3A_360 = vector.broadcast %eq3A_359 : i32 to vector<16xi32>
        %eq3A_361 = arith.cmpi eq, %get3A_16, %eq3A_360 : vector<16xi32>
        %select_n3A_362 = arith.select %eq3A_361, %select_n3A_358, %select_n3A_343 : vector<16xi1>, vector<16xf32>
        %mul3A_363 = arith.constant 64 : i32
        %mul3A_364 = arith.muli %scan3A_25, %mul3A_363 : i32
        %add3A_365 = arith.constant 48 : i32
        %add3A_366 = arith.addi %mul3A_364, %add3A_365 : i32
        %swap3A_367 = arith.index_cast %add3A_366 : i32 to index
        %swap3A_368 = tpu.vector_load %arg9[%swap3A_367] {strides = array<i32>} : memref<8192xf32, #tpu.memory_space<vmem>>, vector<16xf32>,
        %swap3A_369 = vector.shape_cast %swap3A_368 : vector<16xf32> to vector<16xf32>
        %swap3A_370 = vector.shape_cast %select_n3A_362 : vector<16xf32> to vector<16xf32>
        tpu.vector_store %arg9[%swap3A_367], %swap3A_370 {strides = array<i32>} : memref<8192xf32, #tpu.memory_space<vmem>>, vector<16xf32>,
      }
      %scan3A_22 = arith.constant 128 : i32
      %mul3A_23 = arith.constant 4 : i32
      %mul3A_24 = arith.muli %add3A_11, %mul3A_23 : i32
      "tpu.region"() ({
        %run_scoped3A = tpu.sem_alloc : memref<!tpu.dma_semaphore, #tpu.memory_space<semaphore_mem>>
        %dma_start3A = tpu.memref_slice %arg6[%mul3A_24] : memref<54525952xf32, #tpu.memory_space<hbm>> -> memref<8192xf32, #tpu.memory_space<hbm>>
        %dma_start3A_25 = tpu.memref_slice %arg6[%mul3A_24] : memref<54525952xf32, #tpu.memory_space<hbm>> -> memref<8192xf32, #tpu.memory_space<hbm>>
        tpu.enqueue_dma source(%arg9 : memref<8192xf32, #tpu.memory_space<vmem>>) target(%dma_start3A_25 : memref<8192xf32, #tpu.memory_space<hbm>>) target_semaphore(%run_scoped3A : memref<!tpu.dma_semaphore, #tpu.memory_space<semaphore_mem>>)
        %dma_wait3A = tpu.memref_slice %arg6[%mul3A_24] : memref<54525952xf32, #tpu.memory_space<hbm>> -> memref<8192xf32, #tpu.memory_space<hbm>>
        %dma_wait3A_26 = tpu.memref_slice %arg6[%mul3A_24] : memref<54525952xf32, #tpu.memory_space<hbm>> -> memref<8192xf32, #tpu.memory_space<hbm>>
        tpu.wait_dma2 semaphore(%run_scoped3A : memref<!tpu.dma_semaphore, #tpu.memory_space<semaphore_mem>>) src(%arg9 : memref<8192xf32, #tpu.memory_space<vmem>>) dst(%dma_wait3A_26 : memref<8192xf32, #tpu.memory_space<hbm>>)
        tpu.yield
      }) : () -> ()
    }
    %scan3A_7 = arith.constant 208 : i32
    return
  }
}

</mosaic_0001>

<sc_bundles>
// kernel: kernel.3.cloned.1.call-start
scs
__scs_entry_jumppad:
0x0: {  	(pc) =	sbr.rel $0x88, $3  }
0x1: {  	(tag) =	ssettag $0x0;
	lr =	simm.s32 $0x1  }
0x2: {  	[smem:$0x3F9F] =	sst lr;
	_ =	strace $0xD0000000  }
0x3: {  	_ = 	snop  }
0x4: {  	_ = 	snop  }
0x5: {  	_ = 	snop  }
0x6: {  	_ = 	snop  }
0x7: {  	_ = 	snop  }
__scs_overlays_trampoline_lowered:
0x8: {  	[smem:$0x3FAE] =	sst s0  }
0x9: {  	[smem:$0x3FAF] =	sst s1  }
0xa: {  	[smem:$0x3FB0] =	sst s2  }
0xb: {  	[smem:$0x3FB1] =	sst s3  }
0xc: {  	[smem:$0x3FB2] =	sst s4  }
0xd: {  	[smem:$0x3FB3] =	sst s5  }
0xe: {  	[smem:$0x3FB4] =	sst s6  }
0xf: {  	[smem:$0x3FB5] =	sst s7  }
0x10: {  	[smem:$0x3FB6] =	sst s8  }
0x11: {  	[smem:$0x3FB7] =	sst s9;
	s0 =	simm.s32 @!p0 $0x0  }
0x12: {  	s1 =	sld [smem:$0x3F9D];
	s0 =	simm.s32 @p0 $0x1  }
0x13: {  	[smem:$0x3FB8] =	sst s0;
	s0 =	simm.s32 @!p1 $0x0  }
0x14: {  	s2 =	sld [smem:$0x3F9C];
	s0 =	simm.s32 @p1 $0x1  }
0x15: {  	[smem:$0x3FB9] =	sst s0;
	s0 =	simm.s32 @!p2 $0x0  }
0x16: {  	s3 =	sld [smem:$0x3FDB];
	s0 =	simm.s32 @p2 $0x1  }
0x17: {  	s4 =	simm.s32 $0x1BF5;
	[smem:$0x3FBB] =	sst s0  }
0x18: {  	s0 =	sld [smem:$0x3F9E];
	_ =	swait.ge [sflag:s4], $0x0  }
0x19: {  	s7 =	sld [smem:$0x3F9F]  }
0x1a: {  	s8 =	sadd.s32 $0xFFFFE003, lr  }
0x1b: {  	s9 =	sadd.s32 $0xFFFFFEF7, lr;
	s5 =	simm.s32 $0xFFFFFFFF;
	p2 =	slt.u32 s8, $0xFFFFF086  }
0x1c: {  	p1 =	slt.u32 s9, $0xF7A;
	s5 =	simm.s32 @!p2 $0x0  }
0x1d: {  	s5 =	simm.s32 @p1 $0x1;
	p0 =	seq.s32 s7, s2  }
0x1e: {  	s7 =	smul.u32 @!p0 $0xF7A, s2;
	p2 =	seq.s32 @!p0 s5, $0x0  }
0x1f: {  	s9 =	smul.u32 $0xF7A, s1;
	s8 =	simm.s32 @!p0 $0x1BF5;
	p2 =	por !p2, p0  }
0x20: {  	[sflag:s8] =	ssyncset.s32 @!p0 $0xFFFFF086;
	s6 =	sadd.s32 @!p0 s3, s7;
	s7 =	simm.s32 @!p0 $0x108  }
0x21: {  	s3 =	sadd.s32 s3, s9;
	s6 =	sadd.s32 @!p0 $0x88, s6;
	s7 =	simm.s32 @p2 $0x1082  }
0x22: {  	[simem:s7], [sflag:s8] =	dma.local @!p0 [hbm:s6], $0xF7A  }
0x23: {  	s9 =	sor.u32 $0xD0000000, s2;
	s6 =	simm.s32 $0x108;
	_ =	swait.ge @!p0 [sflag:s8], $0x0  }
0x24: {  	s3 =	sadd.s32 $0x88, s3;
	s6 =	simm.s32 @!p1 $0x1082;
	[sflag:s4] =	ssyncset.s32 $0xFFFFF086  }
0x25: {  	[simem:s6], [sflag:s4] =	dma.local [hbm:s3], $0xF7A  }
0x26: {  	[smem:$0x3F9F] =	sst s1;
	(tag) =	ssettag s2;
	_ =	strace s9  }
0x27: {  	s1 =	sld [smem:$0x3FAF]  }
0x28: {  	s2 =	sld [smem:$0x3FB0]  }
0x29: {  	s4 =	sld [smem:$0x3FB2]  }
0x2a: {  	p0 =	seq.s32 s5, $0x0;
	s5 =	sld [smem:$0x3FB3]  }
0x2b: {  	s6 =	sld [smem:$0x3FB4]  }
0x2c: {  	s7 =	sld [smem:$0x3FB5]  }
0x2d: {  	s3 =	simm.s32 $0x108;
	s8 =	sld [smem:$0x3FB6]  }
0x2e: {  	s3 =	simm.s32 @!p0 $0x1082;
	s9 =	sld [smem:$0x3FB7]  }
0x2f: {  	lr =	sadd.s32 s0, s3;
	s0 =	sld [smem:$0x3FAE]  }
0x30: {  	s3 =	sld [smem:$0x3FB1]  }
0x31: {  	[smem:$0x3FBA] =	sst s10  }
0x32: {  	s10 =	sld [smem:$0x3FB8];
	_ =	sdelay $0x3  }
0x33: {  	p0 =	seq.s32 s10, $0x1;
	s10 =	sld [smem:$0x3FBA];
	_ =	sdelay $0x3  }
0x34: {  	[smem:$0x3FBA] =	sst s10  }
0x35: {  	s10 =	sld [smem:$0x3FB9];
	_ =	sdelay $0x3  }
0x36: {  	p1 =	seq.s32 s10, $0x1;
	s10 =	sld [smem:$0x3FBA];
	_ =	sdelay $0x3  }
0x37: {  	[smem:$0x3FBA] =	sst s10  }
0x38: {  	s10 =	sld [smem:$0x3FBB]  }
0x39: {  	_ = 	snop;
	(pc) =	sbr.ind lr, $3  }
0x3a: {  	_ = 	snop  }
0x3b: {  	_ = 	snop  }
0x3c: {  	p2 =	seq.s32 s10, $0x1;
	s10 =	sld [smem:$0x3FBA]  }
0x3d: {  	_ =	shalt  }
0x3e: {  	_ =	shalt  }
0x3f: {  	_ =	shalt  }
0x40: {  	_ =	shalt  }
0x41: {  	_ =	shalt  }
0x42: {  	_ =	shalt  }
0x43: {  	_ =	shalt  }
0x44: {  	_ =	shalt  }
0x45: {  	_ =	shalt  }
0x46: {  	_ =	shalt  }
0x47: {  	_ =	shalt  }
0x48: {  	_ =	shalt  }
0x49: {  	_ =	shalt  }
0x4a: {  	_ =	shalt  }
0x4b: {  	_ =	shalt  }
0x4c: {  	_ =	shalt  }
0x4d: {  	_ =	shalt  }
0x4e: {  	_ =	shalt  }
0x4f: {  	_ =	shalt  }
0x50: {  	_ =	shalt  }
0x51: {  	_ =	shalt  }
0x52: {  	_ =	shalt  }
0x53: {  	_ =	shalt  }
0x54: {  	_ =	shalt  }
0x55: {  	_ =	shalt  }
0x56: {  	_ =	shalt  }
0x57: {  	_ =	shalt  }
0x58: {  	_ =	shalt  }
0x59: {  	_ =	shalt  }
0x5a: {  	_ =	shalt  }
0x5b: {  	_ =	shalt  }
0x5c: {  	_ =	shalt  }
0x5d: {  	_ =	shalt  }
0x5e: {  	_ =	shalt  }
0x5f: {  	_ =	shalt  }
0x60: {  	_ =	shalt  }
0x61: {  	_ =	shalt  }
0x62: {  	_ =	shalt  }
0x63: {  	_ =	shalt  }
0x64: {  	_ =	shalt  }
0x65: {  	_ =	shalt  }
0x66: {  	_ =	shalt  }
0x67: {  	_ =	shalt  }
0x68: {  	_ =	shalt  }
0x69: {  	_ =	shalt  }
0x6a: {  	_ =	shalt  }
0x6b: {  	_ =	shalt  }
0x6c: {  	_ =	shalt  }
0x6d: {  	_ =	shalt  }
0x6e: {  	_ =	shalt  }
0x6f: {  	_ =	shalt  }
0x70: {  	_ =	shalt  }
0x71: {  	_ =	shalt  }
0x72: {  	_ =	shalt  }
0x73: {  	_ =	shalt  }
0x74: {  	_ =	shalt  }
0x75: {  	_ =	shalt  }
0x76: {  	_ =	shalt  }
0x77: {  	_ =	shalt  }
0x78: {  	_ =	shalt  }
0x79: {  	_ =	shalt  }
0x7a: {  	_ =	shalt  }
0x7b: {  	_ =	shalt  }
0x7c: {  	_ =	shalt  }
0x7d: {  	_ =	shalt  }
0x7e: {  	_ =	shalt  }
0x7f: {  	_ =	shalt  }
0x80: {  	_ =	shalt  }
0x81: {  	_ =	shalt  }
0x82: {  	_ =	shalt  }
0x83: {  	_ =	shalt  }
0x84: {  	_ =	shalt  }
0x85: {  	_ =	shalt  }
0x86: {  	_ =	shalt  }
0x87: {  	_ =	shalt  }
.Lfunc_end0:
.L_simem_size_0:
called_computation.1_lowered:
.L_overlay_start_0:
0x88: {  	s2 =	sld [smem:$0x3FD9]  }
0x89: {  	s3 =	sld [smem:$0x3FFE];
	_ =	sdelay $0x1  }
0x8a: {  	s1 =	srdreg.scid  }
0x8b: {  	s0 =	sand.u32 $0x1, s1  }
0x8c: {  	s17 =	sshll.u32 s0, $0xA;
	s2 =	sadd.s32 s3, s2  }
0x8d: {  	s2 =	sadd.s32 s2, s17  }
0x8e: {  	[smem:$0x3FC6] =	sst s2  }
0x8f: {  	_ = 	snop  }
0x90: {  	s2 =	sld [smem:$0x3FD0];
	(tm) =	ssettm $0x1  }
0x91: {  	s18 =	sld [smem:$0x3FFB];
	_ =	sdelay $0x3  }
0x92: {  	_ =	strace s18  }
0x93: {  	s3 =	sld [smem:$0x3FFC];
	_ =	sdelay $0x3  }
0x94: {  	_ =	strace s3  }
0x95: {  	s3 =	sld [smem:$0x3FFD];
	_ =	sdelay $0x3  }
0x96: {  	_ =	strace s3  }
0x97: {  	_ =	strace $0x8FFFFFFF  }
0x98: {  	s19 =	sld [smem:$0x3FDB];
	_ =	sdelay $0x1  }
0x99: {  	s4 =	simm.s32 $_scs_section_size  }
0x9a: {  	s5 =	simm.s32 $_size__tile_overlayer_lowered;
	s6 =	simm.s32 $_tile_overlayer_lowered  }
0x9b: {  	s22 =	simm.s32 $0x1BFF;
	s21 =	sshll.u32 s6, $0x1;
	s3 =	sadd.s32 s4, s19  }
0x9c: {  	s7 =	simm.s32 $0x0;
	s20 =	sshll.u32 s5, $0x1;
	s5 =	sadd.s32 s21, s3  }
0x9d: {  	[timem:s7], [sflag:s22] =	dma.local [hbm:s5], s20  }
0x9e: {  	_ =	swait.ge [sflag:s22], s20  }
0x9f: {  	s4 =	ssub.s32 $0x0, s20;
	[sflag:s22] =	ssyncset.done $0x0  }
0xa0: {  	[sflag:s22] =	ssyncadd.s32 s4;
	_ =	sdelay $0x1  }
0xa1: {  	s23 =	simm.s32 $0x1B8B  }
0xa2: {  	_ =	swait.ge [sflag:s23], $0x1  }
0xa3: {  	[sflag:s23] =	ssyncset.done $0x0  }
0xa4: {  	s25 =	simm.s32 $0x1B8E;
	s24 =	sld [smem:$0x3FFE];
	[sflag:s23] =	ssyncadd.s32 $0xFFFFFFFF  }
0xa5: {  	s26 =	simm.s32 $execute0_lowered;
	[smem:$0x3FD2] =	sst s25  }
0xa6: {  	s5 =	sshll.u32 s26, $0x1;
	_ =	strace $0x80000046;
	[dreg:$0x1] =	wrdreg $0xFFFFFFFF  }
0xa7: {  	s28 =	simm.s32 $_size_execute0_lowered;
	s3 =	sadd.s32 s3, s5;
	[dreg:$0x0] =	wrdreg $0x0  }
0xa8: {  	s5 =	sshll.u32 s28, $0x1;
	[dreg:$0x2] =	wrdreg s3  }
0xa9: {  	[dreg:$0x3] =	wrdreg s5  }
0xaa: {  	[dreg:$0x4] =	wrdreg $0xC0  }
0xab: {  	_ =	task [dreg:s7], $0x5FFFF  }
0xac: {  	[dreg:$0x1] =	wrdreg $0xFFFFFFFF  }
0xad: {  	[dreg:$0x0] =	wrdreg $0x60  }
0xae: {  	[dreg:$0x2] =	wrdreg s24  }
0xaf: {  	[dreg:$0x3] =	wrdreg s2  }
0xb0: {  	[dreg:$0x4] =	wrdreg $0x9  }
0xb1: {  	_ =	task.clear_ibuf [dreg:s7], $0x5FFFF;
	_ =	strace $0x90000046  }
0xb2: {  	s29 =	simm.s32 $0x9;
	_ =	strace $0x80000048  }
0xb3: {  	_ =	swait.ge [sflag:s29], $0x1  }
0xb4: {  	[sflag:s29] =	ssyncadd.s32 $0xFFFFFFFF  }
0xb5: {  	_ =	strace $0x90000048  }
0xb6: {  	_ =	sfence  }
0xb7: {  	s30 =	sld [smem:$0x0];
	_ =	sdelay $0x2  }
0xb8: {  	s31 =	sshll.u32 s1, $0xD;
	s1 =	sshrl.u32 s1, $0x2  }
0xb9: {  	s3 =	sand.u32 $0x4000, s31;
	s1 =	sadd.s32 s1, s30  }
0xba: {  	s0 =	sor.u32 s3, s0;
	s1 =	sshll.u32 s1, $0x11  }
0xbb: {  	s0 =	sor.u32 s1, s0  }
0xbc: {  	s0 =	sadd.s32 $0x8F2B, s0  }
0xbd: {  	[sflag:s0] =	ssyncadd.remote.s32 $0x1  }
0xbe: {  	_ =	sfence.sel $0xFFFF  }
0xbf: {  	[dreg:$0x0] =	wrdreg $0xFFFFFFFF;
	(pc) =	sbr.abs _section_cstart, $3  }
0xc0: {  	[dreg:$0x1] =	wrdreg $0xFFFFFFFF  }
0xc1: {  	_ =	task.clear_ibuf [dreg:s7], $0x2FFFF;
	_ =	strace $0x9FFFFFFF  }
0xc2: {  	(tm) =	ssettm $0x7FFFFFFF  }
0xc3: {  	_ =	shalt  }
tec
execute0_lowered:
.L_overlay_start_1:
0x0: {  	(tag) =	ssettag $0x1  }
0x1: {  	s7 =	rddreg [dreg:$0x0]  }
0x2: {  	s1 =	rddreg [dreg:$0x1]  }
0x3: {  	s0 =	rddreg [dreg:$0x2];
	s2 =	simm.s32 $0x0;
	s3 =	srdreg.scid  }
0x4: {  	s12 =	simm.s32 $0x3080;
	s13 =	simm.s32 $0x800;
	s14 =	simm.s32 $0x1000  }
0x5: {  	s15 =	simm.s32 $0x0;
	[smem:$0x7FF] =	sst s2;
	s8 =	sand.u32 $0x1, s3  }
0x6: {  	s4 =	sadd.s32 $0x800E00, s7;
	s3 =	stileid.u32;
	s5 =	sadd.s32 $0x9A0E00, s7  }
0x7: {  	s6 =	sadd.s32 $0xC00, s7;
	s7 =	sadd.s32 $0xA00, s7;
	s9 =	ssub.s32 $0x2, s8  }
0x8: {  	_ =	strace $0x80000047;
	s11 =	sshll.u32 s3, $0x1;
	s10 =	sshrl.u32 s9, $0x1  }
0x9: {  	s8 =	sor.u32 s8, s11;
	s11 =	simm.s32 $0x1;
	s9 =	ssub.s32 s9, s10  }
0xa: {  	s8 =	smul.u32 $0x68000, s8;
	s10 =	simm.s32 $0x3000;
	s9 =	smax.u32 s9, $0x1  }
.LBB2_1:
0xb: {  	[tilespmem:s10], [sflag:$0x1] =	stream.linear.gather [hbm4b:s6+s2], $0x80, $0x38;
	[tilespmem:$0x3100] =	vst v63  }
0xc: {  	_ =	swait.ge [sflag:s11], $0x80  }
0xd: {  	[sflag:s11] =	ssyncset.done $0x0  }
0xe: {  	[sflag:s11] =	ssyncadd.s32 $0xFFFFFF80  }
0xf: {  	[tilespmem:s12], [sflag:$0x1] =	stream.linear.gather [hbm4b:s7+s2], $0x80, $0x38;
	[tilespmem:$0x3100] =	vst v63  }
0x10: {  	_ =	swait.ge [sflag:s11], $0x80  }
0x11: {  	[sflag:s11] =	ssyncset.done $0x0  }
0x12: {  	s16 =	simm.s32 $0x0;
	[sflag:s11] =	ssyncadd.s32 $0xFFFFFF80  }
.LBB2_2:
0x13: {  	s17 =	sshll.u32 s16, $0xB  }
0x14: {  	s17 =	sadd.s32 s8, s17  }
0x15: {  	s18 =	sshrl.u32 s17, $0x3  }
0x16: {  	s20 =	simm.s32 $0x0;
	s19 =	sadd.s32 s4, s18  }
0x17: {  	[tilespmem:s20], [sflag:$0x1] =	stream.linear.gather [hbm4b:s19+s20], $0x800, $0x38;
	[tilespmem:$0x3100] =	vst v63  }
0x18: {  	_ =	swait.ge [sflag:s11], $0x800  }
0x19: {  	[sflag:s11] =	ssyncset.done $0x0  }
0x1a: {  	s18 =	sadd.s32 s5, s18;
	[sflag:s11] =	ssyncadd.s32 $0xFFFFF800  }
0x1b: {  	[tilespmem:s13], [sflag:$0x1] =	stream.linear.gather [hbm4b:s18+s20], $0x800, $0x38;
	[tilespmem:$0x3100] =	vst v63  }
0x1c: {  	_ =	swait.ge [sflag:s11], $0x800  }
0x1d: {  	[sflag:s11] =	ssyncset.done $0x0  }
0x1e: {  	s30 =	simm.s32 $0x0;
	[sflag:s11] =	ssyncadd.s32 $0xFFFFF800  }
0x1f: {  	v1 =	vld [tilespmem:s30+$0x0]  }
0x20: {  	v2 =	vld [tilespmem:$0x3080]  }
0x21: {  	v3 =	vld [tilespmem:s30+$0x800];
	_ =	sdelay $0x3  }
0x22: {  	v4 =	vbroadcast v1, $0x4;
	vm0 =	veq.s32 v2, $0x3;
	v5 =	vbroadcast v1, $0xB  }
0x23: {  	v6 =	vbroadcast v1, $0xA;
	vm1 =	veq.s32 v2, $0x2;
	v7 =	vbroadcast v3, $0xB  }
0x24: {  	v8 =	vbroadcast v1, $0x9;
	vm2 =	veq.s32 v2, $0x1;
	v9 =	vbroadcast v3, $0xA  }
0x25: {  	v10 =	vbroadcast v3, $0x8;
	vm3 =	veq.s32 v2, $0x0;
	v2 =	vbroadcast v3, $0x9  }
0x26: {  	v11 =	vbroadcast v1, $0x8;
	v36 =	vbroadcast v3, $0x4  }
0x27: {  	v37 =	vbroadcast v3, $0x5;
	v38 =	vbroadcast v1, $0x5  }
0x28: {  	v39 =	vbroadcast v3, $0x6;
	v40 =	vbroadcast v1, $0x6  }
0x29: {  	v41 =	vbroadcast v3, $0x7;
	v42 =	vbroadcast v1, $0x7  }
0x2a: {  	v43 =	vbroadcast v3, $0xC;
	v45 =	vbroadcast v1, $0xC  }
0x2b: {  	v46 =	vbroadcast v3, $0xD;
	v47 =	vbroadcast v1, $0xD  }
0x2c: {  	v0 =	vld [tilespmem:$0x3000];
	v48 =	vbroadcast v3, $0xE;
	v49 =	vbroadcast v1, $0xE  }
0x2d: {  	v50 =	vbroadcast v3, $0xF;
	v52 =	vbroadcast v1, $0xF  }
0x2e: {  	v56 =	vbroadcast v3, $0x0;
	v57 =	vbroadcast v1, $0x0  }
0x2f: {  	v58 =	vbroadcast v3, $0x1;
	v59 =	vbroadcast v1, $0x1  }
0x30: {  	v60 =	vbroadcast v3, $0x2;
	v61 =	vbroadcast v1, $0x2  }
0x31: {  	v3 =	vbroadcast v3, $0x3;
	v1 =	vbroadcast v1, $0x3;
	vm4 =	vlt.s32 v0, v9  }
0x32: {  	vm5 =	vlt.s32 v0, v7;
	vm6 =	vgt.s32 v0, v10;
	vm7 =	vlt.s32 v0, v10  }
0x33: {  	vm13 =	vgt.s32 v0, v2;
	vm8 =	vlt.s32 v0, v2;
	vm14 =	vgt.s32 v0, v9  }
0x34: {  	vm15 =	vgt.s32 v0, v7;
	v35 =	vsel vm6, $0x0, v11;
	v8 =	vsel vm13, $0x0, v8  }
0x35: {  	v6 =	vsel vm14, $0x0, v6;
	v5 =	vsel vm15, $0x0, v5;
	v2 =	vsel vm7, $0x3F800000, v35  }
0x36: {  	v8 =	vsel vm8, $0x3F800000, v8;
	v6 =	vsel vm4, $0x3F800000, v6;
	v5 =	vsel vm5, $0x3F800000, v5  }
0x37: {  	vm4 =	vgt.s32 v0, v36;
	vm5 =	vlt.s32 v0, v36;
	v2 =	vnsel vm3, $0x0, v2  }
0x38: {  	v4 =	vsel vm4, $0x0, v4;
	vm4 =	vgt.s32 v0, v37;
	v2 =	vsel vm2, v8, v2  }
0x39: {  	v4 =	vsel vm5, $0x3F800000, v4;
	v8 =	vsel vm4, $0x0, v38;
	vm4 =	vlt.s32 v0, v37  }
0x3a: {  	vm5 =	vgt.s32 v0, v39;
	v2 =	vsel vm1, v6, v2;
	v4 =	vnsel vm3, $0x0, v4  }
0x3b: {  	v8 =	vsel vm4, $0x3F800000, v8;
	v7 =	vsel vm5, $0x0, v40;
	vm4 =	vlt.s32 v0, v39  }
0x3c: {  	vm5 =	vgt.s32 v0, v41;
	v2 =	vsel vm0, v5, v2;
	v4 =	vsel vm2, v8, v4  }
0x3d: {  	v5 =	vsel vm4, $0x3F800000, v7;
	vm4 =	vlt.s32 v0, v41;
	v6 =	vsel vm5, $0x0, v42  }
0x3e: {  	v4 =	vsel vm1, v5, v4;
	v44 =	vsel vm4, $0x3F800000, v6;
	vm4 =	vgt.s32 v0, v43  }
0x3f: {  	vm5 =	vlt.s32 v0, v43;
	v4 =	vsel vm0, v44, v4;
	v6 =	vsel vm4, $0x0, v45  }
0x40: {  	vm4 =	vgt.s32 v0, v46;
	v6 =	vsel vm5, $0x3F800000, v6;
	vm5 =	vlt.s32 v0, v46  }
0x41: {  	v51 =	vsel vm4, $0x0, v47;
	vm4 =	vgt.s32 v0, v48;
	v6 =	vnsel vm3, $0x0, v6  }
0x42: {  	v5 =	vsel vm5, $0x3F800000, v51;
	v53 =	vsel vm4, $0x0, v49;
	vm4 =	vgt.s32 v0, v50  }
0x43: {  	vm5 =	vlt.s32 v0, v48;
	v55 =	vsel vm4, $0x0, v52;
	vm4 =	vlt.s32 v0, v50  }
0x44: {  	v5 =	vsel vm2, v5, v6;
	v7 =	vsel vm4, $0x3F800000, v55;
	vm4 =	vgt.s32 v0, v56  }
0x45: {  	v54 =	vsel vm5, $0x3F800000, v53;
	vm5 =	vlt.s32 v0, v56;
	v6 =	vsel vm4, $0x0, v57  }
0x46: {  	v5 =	vsel vm1, v54, v5;
	vm4 =	vgt.s32 v0, v58;
	v6 =	vsel vm5, $0x3F800000, v6  }
0x47: {  	vm5 =	vlt.s32 v0, v58;
	v62 =	vsel vm4, $0x0, v59;
	vm4 =	vgt.s32 v0, v60  }
0x48: {  	v6 =	vnsel vm3, $0x0, v6;
	v9 =	vsel vm5, $0x3F800000, v62;
	vm5 =	vlt.s32 v0, v60  }
0x49: {  	s18 =	simm.s32 $0x1020;
	v63 =	vsel vm4, $0x0, v61;
	vm4 =	vgt.s32 v0, v3;
	v6 =	vsel vm2, v9, v6  }
0x4a: {  	[tilespmem:s18+$0x0] =	vst v2;
	v2 =	vsel vm5, $0x3F800000, v63;
	vm5 =	vlt.s32 v0, v3;
	v1 =	vsel vm4, $0x0, v1  }
0x4b: {  	[tilespmem:s18+$0xFFFFFFF0] =	vst v4;
	v3 =	vsel vm0, v7, v5;
	v2 =	vsel vm1, v2, v6;
	v1 =	vsel vm5, $0x3F800000, v1  }
0x4c: {  	[tilespmem:s18+$0x10] =	vst v3;
	v1 =	vsel vm0, v1, v2  }
0x4d: {  	s31 =	simm.s32 $0x10;
	[tilespmem:s18+$0xFFFFFFE0] =	vst v1  }
0x4e: {  	v1 =	vld [tilespmem:s31+$0x0]  }
0x4f: {  	v2 =	vld [tilespmem:s31+$0x800]  }
0x50: {  	s19 =	simm.s32 $0x80  }
.LBB2_3:
0x51: {  	p0 =	sne.s32 s19, $0x1FC0;
	_ =	sdelay $0x1  }
0x52: {  	v3 =	vbroadcast v1, $0x4;
	v4 =	vbroadcast v1, $0xB  }
0x53: {  	v5 =	vbroadcast v1, $0xA;
	v6 =	vbroadcast v2, $0xB  }
0x54: {  	v7 =	vbroadcast v1, $0x9;
	v8 =	vbroadcast v2, $0xA  }
0x55: {  	v9 =	vbroadcast v2, $0x8;
	v10 =	vbroadcast v2, $0x9  }
0x56: {  	v11 =	vbroadcast v1, $0x8;
	vm4 =	vlt.s32 v0, v8;
	vm5 =	vlt.s32 v0, v6  }
0x57: {  	vm6 =	vgt.s32 v0, v9;
	vm7 =	vlt.s32 v0, v10;
	vm8 =	vgt.s32 v0, v6  }
0x58: {  	vm9 =	vlt.s32 v0, v9;
	v6 =	vsel vm6, $0x0, v11;
	vm6 =	vgt.s32 v0, v10  }
0x59: {  	v6 =	vsel vm9, $0x3F800000, v6;
	v7 =	vsel vm6, $0x0, v7;
	vm6 =	vgt.s32 v0, v8  }
0x5a: {  	v6 =	vnsel vm3, $0x0, v6;
	v7 =	vsel vm7, $0x3F800000, v7;
	v5 =	vsel vm6, $0x0, v5  }
0x5b: {  	v4 =	vsel vm8, $0x0, v4;
	v6 =	vsel vm2, v7, v6;
	v5 =	vsel vm4, $0x3F800000, v5  }
0x5c: {  	v4 =	vsel vm5, $0x3F800000, v4;
	v7 =	vbroadcast v2, $0x4;
	v5 =	vsel vm1, v5, v6  }
0x5d: {  	s18 =	sadd.s32 $0x40, s18;
	v8 =	vbroadcast v1, $0x5;
	v6 =	vbroadcast v2, $0x5;
	v4 =	vsel vm0, v4, v5  }
0x5e: {  	vm4 =	vlt.s32 v0, v7;
	vm5 =	vgt.s32 v0, v7;
	v5 =	vbroadcast v2, $0x6;
	[tilespmem:s18+$0x0] =	vst v4  }
0x5f: {  	v3 =	vsel vm5, $0x0, v3;
	vm5 =	vgt.s32 v0, v6;
	v4 =	vbroadcast v1, $0x6  }
0x60: {  	v3 =	vsel vm4, $0x3F800000, v3;
	v7 =	vsel vm5, $0x0, v8;
	v8 =	vbroadcast v2, $0x7  }
0x61: {  	vm4 =	vlt.s32 v0, v6;
	vm5 =	vgt.s32 v0, v5;
	v6 =	vbroadcast v1, $0x7  }
0x62: {  	v3 =	vnsel vm3, $0x0, v3;
	v7 =	vsel vm4, $0x3F800000, v7;
	v4 =	vsel vm5, $0x0, v4  }
0x63: {  	vm4 =	vlt.s32 v0, v5;
	v3 =	vsel vm2, v7, v3;
	vm5 =	vgt.s32 v0, v8  }
0x64: {  	v4 =	vsel vm4, $0x3F800000, v4;
	vm4 =	vlt.s32 v0, v8;
	v5 =	vsel vm5, $0x0, v6  }
0x65: {  	v3 =	vsel vm1, v4, v3;
	v4 =	vsel vm4, $0x3F800000, v5;
	v5 =	vbroadcast v2, $0xC  }
0x66: {  	v6 =	vbroadcast v2, $0xD;
	v3 =	vsel vm0, v4, v3;
	v4 =	vbroadcast v1, $0xC  }
0x67: {  	v7 =	vbroadcast v2, $0xE;
	vm4 =	vgt.s32 v0, v5;
	[tilespmem:s18+$0xFFFFFFF0] =	vst v3;
	v3 =	vbroadcast v1, $0xD  }
0x68: {  	vm5 =	vlt.s32 v0, v5;
	v4 =	vsel vm4, $0x0, v4;
	vm4 =	vgt.s32 v0, v6  }
0x69: {  	v8 =	vbroadcast v2, $0xF;
	v5 =	vbroadcast v1, $0xE;
	v4 =	vsel vm5, $0x3F800000, v4  }
0x6a: {  	vm5 =	vlt.s32 v0, v6;
	v3 =	vsel vm4, $0x0, v3;
	vm4 =	vgt.s32 v0, v7  }
0x6b: {  	v6 =	vbroadcast v1, $0xF;
	v4 =	vnsel vm3, $0x0, v4;
	v3 =	vsel vm5, $0x3F800000, v3  }
0x6c: {  	vm5 =	vlt.s32 v0, v7;
	v5 =	vsel vm4, $0x0, v5;
	vm4 =	vgt.s32 v0, v8  }
0x6d: {  	v3 =	vsel vm2, v3, v4;
	v4 =	vsel vm5, $0x3F800000, v5;
	v5 =	vsel vm4, $0x0, v6  }
0x6e: {  	v6 =	vbroadcast v2, $0x0;
	vm4 =	vlt.s32 v0, v8;
	v3 =	vsel vm1, v4, v3  }
0x6f: {  	v7 =	vbroadcast v2, $0x1;
	v4 =	vbroadcast v1, $0x0;
	v5 =	vsel vm4, $0x3F800000, v5  }
0x70: {  	v8 =	vbroadcast v1, $0x1;
	vm4 =	vgt.s32 v0, v6;
	v3 =	vsel vm0, v5, v3  }
0x71: {  	vm5 =	vlt.s32 v0, v6;
	v5 =	vbroadcast v2, $0x2;
	v4 =	vsel vm4, $0x0, v4;
	[tilespmem:s18+$0x10] =	vst v3  }
0x72: {  	v2 =	vbroadcast v2, $0x3;
	vm4 =	vgt.s32 v0, v7;
	v3 =	vbroadcast v1, $0x2  }
0x73: {  	v4 =	vsel vm5, $0x3F800000, v4;
	vm5 =	vlt.s32 v0, v7;
	v6 =	vsel vm4, $0x0, v8  }
0x74: {  	vm4 =	vgt.s32 v0, v5;
	v4 =	vnsel vm3, $0x0, v4;
	v1 =	vbroadcast v1, $0x3  }
0x75: {  	v6 =	vsel vm5, $0x3F800000, v6;
	vm5 =	vlt.s32 v0, v5;
	v3 =	vsel vm4, $0x0, v3  }
0x76: {  	v4 =	vsel vm2, v6, v4;
	vm4 =	vgt.s32 v0, v2;
	v3 =	vsel vm5, $0x3F800000, v3  }
0x77: {  	vm5 =	vlt.s32 v0, v2;
	v1 =	vsel vm4, $0x0, v1;
	v3 =	vsel vm1, v3, v4  }
0x78: {  	v1 =	vsel vm5, $0x3F800000, v1  }
.Ltmp0:
0x79: {  	v1 =	vsel vm0, v1, v3;
	(pc) =	sbr.rel @p0 .LBB2_3-.Ltmp0, $4  }
0x7a: {  	s20 =	sshra.s32 s19, $0x2;
	[tilespmem:s18+$0xFFFFFFE0] =	vst v1  }
0x7b: {  	v1 =	vld [tilespmem:s20+$0x0]  }
0x7c: {  	v2 =	vld [tilespmem:s20+$0x800]  }
0x7d: {  	s19 =	sadd.s32 $0x40, s19  }
0x7e: {  	_ =	sdelay $0x1  }
0x7f: {  	v3 =	vbroadcast v1, $0x4;
	v4 =	vbroadcast v1, $0xB  }
0x80: {  	v5 =	vbroadcast v1, $0xA;
	v7 =	vbroadcast v1, $0x9  }
0x81: {  	v11 =	vbroadcast v1, $0x8;
	v32 =	vbroadcast v1, $0x5  }
0x82: {  	v34 =	vbroadcast v1, $0x6;
	v36 =	vbroadcast v1, $0x7  }
0x83: {  	v39 =	vbroadcast v1, $0xC;
	v41 =	vbroadcast v1, $0xD  }
0x84: {  	v43 =	vbroadcast v1, $0xE;
	v46 =	vbroadcast v1, $0xF  }
0x85: {  	v51 =	vbroadcast v1, $0x0;
	v53 =	vbroadcast v1, $0x1  }
0x86: {  	v55 =	vbroadcast v1, $0x2;
	v58 =	vbroadcast v1, $0x3  }
0x87: {  	v6 =	vbroadcast v2, $0xB;
	v8 =	vbroadcast v2, $0xA  }
0x88: {  	v9 =	vbroadcast v2, $0x8;
	v10 =	vbroadcast v2, $0x9  }
0x89: {  	v30 =	vbroadcast v2, $0x4;
	v31 =	vbroadcast v2, $0x5  }
0x8a: {  	v33 =	vbroadcast v2, $0x6;
	v35 =	vbroadcast v2, $0x7  }
0x8b: {  	v37 =	vbroadcast v2, $0xC;
	v40 =	vbroadcast v2, $0xD  }
0x8c: {  	v42 =	vbroadcast v2, $0xE;
	v44 =	vbroadcast v2, $0xF  }
0x8d: {  	v50 =	vbroadcast v2, $0x0;
	v52 =	vbroadcast v2, $0x1  }
0x8e: {  	v54 =	vbroadcast v2, $0x2;
	v56 =	vbroadcast v2, $0x3;
	vm4 =	vlt.s32 v0, v8  }
0x8f: {  	vm5 =	vlt.s32 v0, v6;
	vm6 =	vgt.s32 v0, v9;
	vm7 =	vlt.s32 v0, v9  }
0x90: {  	vm13 =	vgt.s32 v0, v10;
	vm8 =	vlt.s32 v0, v10;
	vm14 =	vgt.s32 v0, v8  }
0x91: {  	vm15 =	vgt.s32 v0, v6;
	vm9 =	vlt.s32 v0, v30;
	vm10 =	vgt.s32 v0, v31  }
0x92: {  	vm11 =	vlt.s32 v0, v31;
	vm12 =	vgt.s32 v0, v33;
	v27 =	vsel vm6, $0x0, v11  }
0x93: {  	v7 =	vsel vm13, $0x0, v7;
	v5 =	vsel vm14, $0x0, v5;
	v4 =	vsel vm15, $0x0, v4  }
0x94: {  	v8 =	vsel vm10, $0x0, v32;
	vm13 =	vlt.s32 v0, v33;
	vm14 =	vgt.s32 v0, v35  }
0x95: {  	vm15 =	vlt.s32 v0, v35;
	vm10 =	vgt.s32 v0, v40;
	v9 =	vsel vm7, $0x3F800000, v27  }
0x96: {  	v7 =	vsel vm8, $0x3F800000, v7;
	v5 =	vsel vm4, $0x3F800000, v5;
	v4 =	vsel vm5, $0x3F800000, v4  }
0x97: {  	vm8 =	vgt.s32 v0, v30;
	v8 =	vsel vm11, $0x3F800000, v8;
	v6 =	vsel vm14, $0x0, v36  }
0x98: {  	vm11 =	vlt.s32 v0, v40;
	v45 =	vsel vm10, $0x0, v41;
	vm14 =	vgt.s32 v0, v44  }
0x99: {  	vm10 =	vgt.s32 v0, v52;
	v28 =	vnsel vm3, $0x0, v9;
	v3 =	vsel vm8, $0x0, v3  }
0x9a: {  	v38 =	vsel vm15, $0x3F800000, v6;
	vm8 =	vgt.s32 v0, v37;
	v49 =	vsel vm14, $0x0, v46  }
0x9b: {  	vm15 =	vlt.s32 v0, v44;
	v57 =	vsel vm10, $0x0, v53;
	vm14 =	vgt.s32 v0, v56  }
0x9c: {  	v29 =	vsel vm2, v7, v28;
	v3 =	vsel vm9, $0x3F800000, v3;
	v7 =	vsel vm12, $0x0, v34  }
0x9d: {  	vm9 =	vlt.s32 v0, v37;
	v6 =	vsel vm8, $0x0, v39;
	vm12 =	vgt.s32 v0, v42  }
0x9e: {  	vm8 =	vgt.s32 v0, v50;
	v61 =	vsel vm14, $0x0, v58;
	v5 =	vsel vm1, v5, v29  }
0x9f: {  	v3 =	vnsel vm3, $0x0, v3;
	v6 =	vsel vm9, $0x3F800000, v6;
	v47 =	vsel vm12, $0x0, v43  }
0xa0: {  	vm9 =	vlt.s32 v0, v50;
	vm12 =	vgt.s32 v0, v54;
	v4 =	vsel vm0, v4, v5  }
0xa1: {  	v3 =	vsel vm2, v8, v3;
	v5 =	vsel vm13, $0x3F800000, v7;
	v6 =	vnsel vm3, $0x0, v6  }
0xa2: {  	vm13 =	vlt.s32 v0, v42;
	v7 =	vsel vm15, $0x3F800000, v49;
	v59 =	vsel vm12, $0x0, v55  }
0xa3: {  	vm15 =	vlt.s32 v0, v56;
	v3 =	vsel vm1, v5, v3;
	v5 =	vsel vm11, $0x3F800000, v45  }
0xa4: {  	v48 =	vsel vm13, $0x3F800000, v47;
	v5 =	vsel vm2, v5, v6;
	v6 =	vsel vm8, $0x0, v51  }
0xa5: {  	vm11 =	vlt.s32 v0, v52;
	vm13 =	vlt.s32 v0, v54;
	v6 =	vsel vm9, $0x3F800000, v6  }
0xa6: {  	s18 =	sadd.s32 $0x40, s18;
	v3 =	vsel vm0, v38, v3;
	v9 =	vsel vm11, $0x3F800000, v57;
	v6 =	vnsel vm3, $0x0, v6  }
0xa7: {  	[tilespmem:s18+$0x0] =	vst v4;
	v60 =	vsel vm13, $0x3F800000, v59;
	v5 =	vsel vm1, v48, v5;
	v6 =	vsel vm2, v9, v6  }
0xa8: {  	s16 =	sadd.s32 $0x1, s16;
	v0 =	vsel vm15, $0x3F800000, v61;
	[tilespmem:s18+$0xFFFFFFF0] =	vst v3;
	v62 =	vsel vm0, v7, v5;
	v63 =	vsel vm1, v60, v6  }
0xa9: {  	s17 =	sshrl.u32 s17, $0x1;
	p0 =	sne.s32 s16, $0xD0;
	[tilespmem:s18+$0x10] =	vst v62;
	v0 =	vsel vm0, v0, v63  }
.Ltmp1:
0xaa: {  	s17 =	sadd.s32 s1, s17;
	[tilespmem:s18+$0xFFFFFFE0] =	vst v0;
	(pc) =	sbr.rel @p0 .LBB2_2-.Ltmp1, $4  }
0xab: {  	[hbm4b:s17+s2] =	stream.linear.scatter [tilespmem:s14], [sflag:$0x1], $0x2000, $0x38;
	[tilespmem:$0x3100] =	vst v63  }
0xac: {  	_ =	swait.ge [sflag:s11], $0x2000  }
0xad: {  	[sflag:s11] =	ssyncset.done $0x0  }
0xae: {  	[sflag:s11] =	ssyncadd.s32 $0xFFFFE000  }
0xaf: {  	s15 =	sadd.s32 $0x1, s15  }
0xb0: {  	p0 =	sne.s32 s15, s9  }
.Ltmp2:
0xb1: {  	_ = 	snop;
	(pc) =	sbr.rel @p0 .LBB2_1-.Ltmp2, $1  }
0xb2: {  	_ =	sdelay $0x3  }
0xb3: {  	_ =	sfence.sel $0x180000  }
0xb4: {  	[bflag:$0x0] =	sbarrier.arrive $0xFFFF  }
0xb5: {  	p0 =	sne.s32 s3, $0x0;
	_ =	strace $0x90000047  }
0xb6: {  	s0 =	sadd.s32 @!p0 $0x100000, s0;
	[bflag:$0x2] =	sbarrier.arrive $0xFFFF  }
0xb7: {  	[sflag:s0] =	ssyncadd.tile.s32 @!p0 $0x1;
	_ =	shalt  }
.Lfunc_end2:
_tile_overlayer_lowered:
.L_overlay_start_2:
0xb8: {  	(tag) =	ssettag $0x2  }
0xb9: {  	s0 =	rddreg [dreg:$0x0];
	s2 =	stileid.u32  }
0xba: {  	s1 =	rddreg [dreg:$0x1];
	p0 =	sne.s32 s2, $0x0  }
0xbb: {  	s3 =	rddreg [dreg:$0x2];
	[bflag:$0x3] =	sbarrier.arrive $0xFFFF;
	s2 =	simm.s32 @!p0 $0x1C01  }
0xbc: {  	[timem:s3], [sflag:s2] =	dma.local @!p0 [hbm:s0], s1  }
0xbd: {  	s0 =	simm.s32 @!p0 $0x1  }
0xbe: {  	_ =	swait.ge @!p0 [sflag:s0], s1  }
0xbf: {  	s1 =	ssub.s32 @!p0 $0x0, s1;
	[sflag:s0] =	ssyncset.done @!p0 $0x0  }
0xc0: {  	[sflag:s0] =	ssyncadd.s32 @!p0 s1  }
0xc1: {  	[bflag:$0x3] =	sbarrier.arrive $0xFFFF  }
0xc2: {  	_ =	shalt  }

// kernel: sparse-core-data-format-call.cloned.1.call-start
scs
called_computation_lowered:
.L_overlay_start_0:
0x0: {  	s2 =	sld [smem:$0x3FD9]  }
0x1: {  	s3 =	sld [smem:$0x3FFE];
	_ =	sdelay $0x1  }
0x2: {  	s1 =	srdreg.scid  }
0x3: {  	s0 =	sand.u32 $0x1, s1  }
0x4: {  	s18 =	sshll.u32 s0, $0xA;
	s2 =	sadd.s32 s3, s2  }
0x5: {  	s2 =	sadd.s32 s2, s18  }
0x6: {  	[smem:$0x3FC6] =	sst s2  }
0x7: {  	_ = 	snop  }
0x8: {  	s2 =	sld [smem:$0x3FD0];
	(tm) =	ssettm $0x1  }
0x9: {  	s19 =	sld [smem:$0x3FFB];
	_ =	sdelay $0x3  }
0xa: {  	_ =	strace s19  }
0xb: {  	s3 =	sld [smem:$0x3FFC];
	_ =	sdelay $0x3  }
0xc: {  	_ =	strace s3  }
0xd: {  	s3 =	sld [smem:$0x3FFD];
	_ =	sdelay $0x3  }
0xe: {  	_ =	strace s3  }
0xf: {  	_ =	strace $0x8FFFFFFF  }
0x10: {  	s20 =	sld [smem:$0x3FDB];
	_ =	sdelay $0x1  }
0x11: {  	s4 =	simm.s32 $_scs_section_size  }
0x12: {  	s5 =	simm.s32 $_size__tile_overlayer_lowered;
	s6 =	simm.s32 $_tile_overlayer_lowered  }
0x13: {  	s23 =	simm.s32 $0x1BFF;
	s22 =	sshll.u32 s6, $0x1;
	s3 =	sadd.s32 s4, s20  }
0x14: {  	s7 =	simm.s32 $0x0;
	s21 =	sshll.u32 s5, $0x1;
	s5 =	sadd.s32 s22, s3  }
0x15: {  	[timem:s7], [sflag:s23] =	dma.local [hbm:s5], s21  }
0x16: {  	_ =	swait.ge [sflag:s23], s21  }
0x17: {  	s4 =	ssub.s32 $0x0, s21;
	[sflag:s23] =	ssyncset.done $0x0  }
0x18: {  	[sflag:s23] =	ssyncadd.s32 s4;
	_ =	sdelay $0x1  }
0x19: {  	s24 =	simm.s32 $0x1B8B  }
0x1a: {  	_ =	swait.ge [sflag:s24], $0x1  }
0x1b: {  	[sflag:s24] =	ssyncset.done $0x0  }
0x1c: {  	s26 =	simm.s32 $0x1B8E;
	s25 =	sld [smem:$0x3FFE];
	[sflag:s24] =	ssyncadd.s32 $0xFFFFFFFF  }
0x1d: {  	s27 =	simm.s32 $execute0_lowered;
	[smem:$0x3FD2] =	sst s26  }
0x1e: {  	s5 =	sshll.u32 s27, $0x1;
	_ =	strace $0x80000049;
	[dreg:$0x1] =	wrdreg $0xFFFFFFFF  }
0x1f: {  	s28 =	simm.s32 $_size_execute0_lowered;
	s3 =	sadd.s32 s3, s5;
	[dreg:$0x0] =	wrdreg $0x0  }
0x20: {  	s5 =	sshll.u32 s28, $0x1;
	[dreg:$0x2] =	wrdreg s3  }
0x21: {  	[dreg:$0x3] =	wrdreg s5  }
0x22: {  	[dreg:$0x4] =	wrdreg $0xC0  }
0x23: {  	_ =	task [dreg:s7], $0x5FFFF  }
0x24: {  	[dreg:$0x1] =	wrdreg $0xFFFFFFFF  }
0x25: {  	[dreg:$0x0] =	wrdreg $0x60  }
0x26: {  	[dreg:$0x2] =	wrdreg s25  }
0x27: {  	[dreg:$0x3] =	wrdreg s2  }
0x28: {  	[dreg:$0x4] =	wrdreg $0x9  }
0x29: {  	_ =	task.clear_ibuf [dreg:s7], $0x5FFFF;
	_ =	strace $0x90000049  }
0x2a: {  	s29 =	simm.s32 $0x9;
	_ =	strace $0x8000004B  }
0x2b: {  	_ =	swait.ge [sflag:s29], $0x1  }
0x2c: {  	[sflag:s29] =	ssyncadd.s32 $0xFFFFFFFF  }
0x2d: {  	_ =	strace $0x9000004B  }
0x2e: {  	_ =	sfence  }
0x2f: {  	s30 =	sld [smem:$0x0];
	_ =	sdelay $0x2  }
0x30: {  	s31 =	sshll.u32 s1, $0xD;
	s1 =	sshrl.u32 s1, $0x2  }
0x31: {  	s3 =	sand.u32 $0x4000, s31;
	s1 =	sadd.s32 s1, s30  }
0x32: {  	s0 =	sor.u32 s3, s0;
	s1 =	sshll.u32 s1, $0x11  }
0x33: {  	s0 =	sor.u32 s1, s0  }
0x34: {  	s0 =	sadd.s32 $0x8F2B, s0  }
0x35: {  	[sflag:s0] =	ssyncadd.remote.s32 $0x1  }
0x36: {  	_ =	sfence.sel $0xFFFF  }
0x37: {  	[dreg:$0x0] =	wrdreg $0xFFFFFFFF;
	(pc) =	sbr.abs _section_cstart, $3  }
0x38: {  	[dreg:$0x1] =	wrdreg $0xFFFFFFFF  }
0x39: {  	_ =	task.clear_ibuf [dreg:s7], $0x2FFFF;
	_ =	strace $0x9FFFFFFF  }
0x3a: {  	(tm) =	ssettm $0x7FFFFFFF  }
0x3b: {  	_ =	shalt  }
tec
execute0_lowered:
.L_overlay_start_1:
0x0: {  	(tag) =	ssettag $0x1  }
0x1: {  	s0 =	srdreg.scid  }
0x2: {  	s1 =	sshll.u32 s0, $0x4  }
0x3: {  	s6 =	rddreg [dreg:$0x0];
	s0 =	stileid.u32;
	s1 =	sand.u32 $0x10, s1  }
0x4: {  	s3 =	rddreg [dreg:$0x1];
	s1 =	sor.u32 s0, s1  }
0x5: {  	s5 =	simm.s32 $0x1;
	s31 =	simm.s32 $0x2;
	s2 =	sshll.u32 s1, $0x7  }
0x6: {  	s15 =	simm.s32 $0x0;
	s8 =	simm.s32 $0x200000;
	s4 =	ssub.s32 $0x80000, s2  }
0x7: {  	s14 =	simm.s32 $0x0;
	s9 =	simm.s32 $0x0;
	s30 =	sand.u32 $0xF80, s4  }
0x8: {  	s10 =	simm.s32 $0x0;
	s11 =	simm.s32 $0x0;
	p0 =	sne.s32 s30, $0x0  }
.Ltmp0:
0x9: {  	s7 =	sshrl.u32 s4, $0xC;
	s5 =	simm.s32 @!p0 $0x0;
	(pc) =	sbr.rel .LBB1_1-.Ltmp0, $4  }
0xa: {  	s13 =	simm.s32 $0x0;
	s1 =	rddreg [dreg:$0x2];
	s5 =	sadd.s32 s5, s7  }
0xb: {  	_ =	strace $0x8000004A;
	s4 =	simm.s32 $0x1;
	s5 =	smul.u32 $0x1A, s5  }
0xc: {  	s6 =	sadd.s32 $0xA00, s6;
	s12 =	smov.u32 s2;
	[sflag:s4] =	ssyncpa.u1 $0x0  }
0xd: {  	[sflag:s31] =	ssyncpa.u1 $0x0;
	p0 =	por $0x0, $0x0;
	s7 =	sor.u32 $0x1, s5  }
.LBB1_4:
0xe: {  	p1 =	sgt.s32 s9, $0x19  }
0xf: {  	s18 =	smov.u32 s9;
	s19 =	sshra.s32 s9, $0x1F;
	s20 =	sand.u32 $0x78, s10  }
0x10: {  	s21 =	sshra.s32 s10, $0x1F;
	s22 =	sshll.u32 s10, $0x2;
	s25 =	sshll.u32 s9, $0x12  }
0x11: {  	s26 =	sshrl.u32 s10, $0x1;
	s18 =	simm.s32 @!p1 $0x19;
	s19 =	sand.u32 s19, s9  }
0x12: {  	p1 =	sgt.s32 s10, $0x7FF80;
	s18 =	ssub.s32 s18, s19;
	s19 =	smov.u32 s10  }
0x13: {  	s27 =	sand.u32 $0x7, s10;
	s21 =	sand.u32 s21, s10;
	s19 =	simm.s32 @!p1 $0x7FF80  }
0x14: {  	s22 =	sand.u32 $0x7FE00, s22;
	s18 =	sadd.s32 $0xFFFFFFE7, s18;
	s19 =	ssub.s32 s19, s21  }
0x15: {  	p1 =	sgt.s32 s18, $0x0;
	s18 =	sshll.u32 s18, $0x2;
	s21 =	sadd.s32 $0xFFF80080, s19  }
0x16: {  	s18 =	ssub.s32 $0x4, s18;
	s19 =	ssub.s32 $0x80000, s19;
	p2 =	sgt.s32 s21, $0x7F  }
0x17: {  	s20 =	sor.u32 s20, s22;
	s18 =	simm.s32 @p1 $0x0;
	s19 =	simm.s32 @p2 $0x0  }
0x18: {  	s21 =	sand.u32 $0x30000, s26;
	s18 =	smul.u32 s19, s18;
	s19 =	sadd.s32 s3, s25  }
0x19: {  	s28 =	sshll.u32 s27, $0x12;
	s20 =	sshrl.u32 s20, $0x3;
	s19 =	sadd.s32 s21, s19  }
0x1a: {  	[tilespmem:s17+$0x0 ss:$0x81] =	vst.msk $0xffff, v0;
	s31 =	sor.u32 $0x200, s28;
	s29 =	sand.u32 $0x3FFFFFFC, s18;
	s30 =	sadd.s32 s20, s19  }
0x1b: {  	[hbm4b:s30+s31] =	stream.strided.scatter [tilespmem:s16], [sflag:$0x2], s29, s8, s31, $0x20;
	[tilespmem:$0x4040] =	vst v63  }
.LBB1_5:
0x1c: {  	p1 =	slt.u32 s13, $0x2  }
0x1d: {  	p2 =	sgt.s32 @!p1 s15, $0x19  }
0x1e: {  	s16 =	smov.u32 s15;
	s17 =	sshra.s32 @!p1 s15, $0x1F;
	p2 =	por !p2, p1  }
0x1f: {  	s18 =	sshra.s32 @!p1 s14, $0x1F;
	s16 =	simm.s32 @p2 $0x19;
	p2 =	sgt.s32 @!p1 s14, $0x7FF80  }
0x20: {  	s15 =	sand.u32 @!p1 s17, s15;
	s17 =	smov.u32 s14;
	p2 =	por !p2, p1  }
0x21: {  	s14 =	sand.u32 @!p1 s18, s14;
	s15 =	ssub.s32 @!p1 s16, s15;
	s17 =	simm.s32 @p2 $0x7FF80  }
0x22: {  	s15 =	sadd.s32 @!p1 $0xFFFFFFE7, s15;
	s14 =	ssub.s32 @!p1 s17, s14  }
0x23: {  	s18 =	smov.u32 s12;
	s16 =	sshll.u32 @!p1 s15, $0x2;
	s17 =	sadd.s32 @!p1 $0xFFF80080, s14  }
0x24: {  	p2 =	sgt.s32 @!p1 s15, $0x0;
	s15 =	ssub.s32 @!p1 $0x4, s16;
	p3 =	sgt.s32 @!p1 s17, $0x7F  }
0x25: {  	p2 =	por !p2, p1;
	s14 =	ssub.s32 @!p1 $0x80000, s14;
	p3 =	por !p3, p1  }
0x26: {  	s16 =	sadd.s32 $0x1, s11;
	s15 =	simm.s32 @!p2 $0x0;
	s14 =	simm.s32 @!p3 $0x0  }
0x27: {  	p2 =	sgt.s32 s16, $0x19;
	s14 =	smul.u32 @!p1 s14, s15;
	s15 =	sadd.s32 $0x1000, s12  }
0x28: {  	s18 =	smov.u32 @p2 s15  }
0x29: {  	s16 =	simm.s32 @p2 $0x0;
	p2 =	sgt.s32 s18, $0x7FFFF  }
0x2a: {  	s18 =	smov.u32 @p2 s2;
	p2 =	sne.s32 s13, s7  }
.Ltmp1:
0x2b: {  	p0 =	por !p0, !p0;
	s17 =	simm.s32 @!p1 $0x2;
	(pc) =	sbr.rel @!p2 .LBB1_6-.Ltmp1, $4  }
0x2c: {  	s15 =	smov.u32 s9;
	s9 =	smov.u32 s11;
	s14 =	sand.u32 @!p1 $0x3FFFFFFC, s14  }
0x2d: {  	s11 =	smov.u32 s16;
	_ =	swait.ge @!p1 [sflag:s17], s14;
	s19 =	ssub.s32 @!p1 $0x0, s14  }
0x2e: {  	s14 =	smov.u32 s10;
	s13 =	sadd.s32 $0x1, s13;
	[sflag:s17] =	ssyncset.done @!p1 $0x0  }
0x2f: {  	s10 =	smov.u32 s12;
	s12 =	smov.u32 s18;
	[sflag:s17] =	ssyncadd.s32 @!p1 s19  }
.LBB1_1:
0x30: {  	p1 =	sge.u32 s13, s5  }
0x31: {  	s31 =	sadd.s32 $0xFFFFFFFF, s13;
	s16 =	sxor.u32 @!p1 $0xFFFFFFFF, s13  }
0x32: {  	s17 =	sshll.u32 @!p1 s12, $0x9;
	s18 =	sshll.u32 @!p1 s11, $0x4;
	s19 =	simm.s32 @!p1 $0x1000  }
0x33: {  	s16 =	sshll.u32 @!p1 s16, $0xC;
	s18 =	sand.u32 @!p1 $0x1F0, s18;
	s17 =	sadd.s32 @!p1 s6, s17  }
0x34: {  	s16 =	sand.u32 @!p1 $0x1000, s16;
	s17 =	sadd.s32 @!p1 s18, s17;
	s18 =	simm.s32 @!p1 $0x20  }
0x35: {  	[tilespmem:s16], [sflag:$0x1] =	stream.strided.gather @!p1 [hbm4b:s17+s18], $0x1000, s19, s18, $0x38;
	[tilespmem:$0x4040] =	vst v63  }
0x36: {  	p1 =	sge.u32 s31, s5  }
.Ltmp2:
0x37: {  	_ = 	snop;
	(pc) =	sbr.rel @p1 .LBB1_5-.Ltmp2, $1  }
0x38: {  	_ =	sdelay $0x3  }
0x39: {  	s16 =	simm.s32 $0x1  }
0x3a: {  	_ =	swait.ge [sflag:s4], $0x1000;
	s16 =	simm.s32 @!p0 $0x0  }
0x3b: {  	[sflag:s4] =	ssyncset.done $0x0;
	s17 =	sshll.u32 s16, $0xC  }
0x3c: {  	[sflag:s4] =	ssyncadd.s32 $0xFFFFF000;
	s20 =	sor.u32 $0x10, s17  }
0x3d: {  	s16 =	smul.u32 $0x4080, s16;
	v1 =	vld [tilespmem:s20+$0x0]  }
0x3e: {  	s30 =	sand.u32 $0x1, s13;
	v0 =	vld [tilespmem:s20+$0xFFFFFFF0]  }
0x3f: {  	s17 =	smul.u32 $0x4080, s30;
	s16 =	sshrl.u32 s16, $0x2  }
0x40: {  	s18 =	sor.u32 $0x2000, s16  }
0x41: {  	s31 =	sshrl.u32 s17, $0x2;
	s17 =	sadd.s32 $0x0, s18  }
0x42: {  	s19 =	simm.s32 $0x4;
	s20 =	sadd.s32 $0x20, s20;
	s16 =	sor.u32 $0x2000, s31;
	[tilespmem:s17+$0x810 ss:$0x81] =	vst.msk $0xffff, v1  }
.LBB1_3:
0x43: {  	v1 =	vld [tilespmem:s20+$0x0];
	p1 =	sne.s32 s19, $0x1FC;
	[tilespmem:s17+$0x0 ss:$0x81] =	vst.msk $0xffff, v0;
	s17 =	smov.u32 s19;
	s19 =	sadd.s32 $0x4, s19  }
.Ltmp3:
0x44: {  	v0 =	vld [tilespmem:s20+$0xFFFFFFF0];
	(pc) =	sbr.rel @p1 .LBB1_3-.Ltmp3, $4  }
0x45: {  	_ = 	snop  }
0x46: {  	s17 =	sshra.s32 s17, $0x2  }
0x47: {  	s17 =	sadd.s32 s17, s18  }
0x48: {  	s20 =	sadd.s32 $0x20, s20;
	[tilespmem:s17+$0x810 ss:$0x81] =	vst.msk $0xffff, v1  }
.Ltmp4:
0x49: {  	_ = 	snop;
	(pc) =	sbr.rel .LBB1_4-.Ltmp4, $1  }
0x4a: {  	_ =	sdelay $0x3  }
.LBB1_6:
0x4b: {  	_ =	sfence.sel $0x180000  }
0x4c: {  	s2 =	simm.s32 $0x1;
	[bflag:$0x0] =	sbarrier.arrive $0xFFFF  }
0x4d: {  	s31 =	simm.s32 $0x2;
	[sflag:s2] =	ssyncpa.u1 $0x1  }
0x4e: {  	[sflag:s31] =	ssyncpa.u1 $0x1  }
0x4f: {  	p0 =	sne.s32 s0, $0x0;
	_ =	strace $0x9000004A  }
0x50: {  	s0 =	sadd.s32 @!p0 $0x100000, s1;
	[bflag:$0x2] =	sbarrier.arrive $0xFFFF  }
0x51: {  	[sflag:s0] =	ssyncadd.tile.s32 @!p0 $0x1;
	_ =	shalt  }
.Lfunc_end1:
_tile_overlayer_lowered:
.L_overlay_start_2:
0x52: {  	(tag) =	ssettag $0x2  }
0x53: {  	s0 =	rddreg [dreg:$0x0];
	s2 =	stileid.u32  }
0x54: {  	s1 =	rddreg [dreg:$0x1];
	p0 =	sne.s32 s2, $0x0  }
0x55: {  	s3 =	rddreg [dreg:$0x2];
	[bflag:$0x3] =	sbarrier.arrive $0xFFFF;
	s2 =	simm.s32 @!p0 $0x1C01  }
0x56: {  	[timem:s3], [sflag:s2] =	dma.local @!p0 [hbm:s0], s1  }
0x57: {  	s0 =	simm.s32 @!p0 $0x1  }
0x58: {  	_ =	swait.ge @!p0 [sflag:s0], s1  }
0x59: {  	s1 =	ssub.s32 @!p0 $0x0, s1;
	[sflag:s0] =	ssyncset.done @!p0 $0x0  }
0x5a: {  	[sflag:s0] =	ssyncadd.s32 @!p0 s1  }
0x5b: {  	[bflag:$0x3] =	sbarrier.arrive $0xFFFF  }
0x5c: {  	_ =	shalt  }

</sc_bundles>
